<compile_context>
chip_gen: v7x
topology: tpu7x:2x2x1
jax: 0.10.2.dev20260603
libtpu: 0.0.44.dev20260713+nightly
codegen_flags: <defaults>
</compile_context>

<pallas_src>
import functools

import jax
import jax.numpy as jnp
from jax import lax
from jax.experimental import pallas as pl
from jax.experimental.pallas import tpu as pltpu
from jax.experimental.pallas import tpu_sc as plsc

VOCAB = 100000
EMBED = 64
N_CLASSES = 1000
B = 16384
L = 20

NW = 32
BAGS_PER_W = B // NW
CHUNK_BAGS = 32
CHUNK_IDX = CHUNK_BAGS * L
N_CHUNKS = BAGS_PER_W // CHUNK_BAGS


@functools.cache
def _get_bag_mean_sc():
    mesh = plsc.VectorSubcoreMesh(core_axis_name="c", subcore_axis_name="s")

    @functools.partial(
        pl.kernel,
        out_type=jax.ShapeDtypeStruct((B, EMBED), jnp.float32),
        mesh=mesh,
        scratch_types=[
            pltpu.VMEM((BAGS_PER_W * L,), jnp.int32),
            pltpu.VMEM((CHUNK_IDX, EMBED), jnp.float32),
            pltpu.VMEM((CHUNK_IDX, EMBED), jnp.float32),
            pltpu.VMEM((BAGS_PER_W, EMBED), jnp.float32),
            pltpu.SemaphoreType.DMA,
            pltpu.SemaphoreType.DMA,
        ],
        compiler_params=pltpu.CompilerParams(use_tc_tiling_on_sc=False),
    )
    def _bag_mean_sc(x_hbm, emb_hbm, out_hbm, idx_v, rows0_v, rows1_v, bag_v,
                     sem0, sem1):
        wid = lax.axis_index("s") * 2 + lax.axis_index("c")
        idx_base = wid * (BAGS_PER_W * L)
        pltpu.sync_copy(x_hbm.at[pl.ds(idx_base, BAGS_PER_W * L)], idx_v)

        bufs = (rows0_v, rows1_v)
        sems = (sem0, sem1)

        def _gather(ci, buf, sem):
            return pltpu.async_copy(
                emb_hbm.at[idx_v.at[pl.ds(ci * CHUNK_IDX, CHUNK_IDX)]], buf, sem
            )

        _gather(0, bufs[0], sems[0])

        def _compute(ci, buf):
            @pl.loop(0, CHUNK_BAGS)
            def _bag(bi):
                base = bi * L
                accs = [buf[base, pl.ds(16 * c, 16)] for c in range(4)]
                for l in range(1, L):
                    for c in range(4):
                        accs[c] = accs[c] + buf[base + l, pl.ds(16 * c, 16)]
                out_row = ci * CHUNK_BAGS + bi
                for c in range(4):
                    bag_v[out_row, pl.ds(16 * c, 16)] = accs[c] * (1.0 / L)

        @pl.loop(0, N_CHUNKS // 2)
        def _chunk(ci2):
            for parity in (0, 1):
                ci = ci2 * 2 + parity
                nxt = 1 - parity

                @pl.when(ci + 1 < N_CHUNKS)
                def _():
                    _gather(ci + 1, bufs[nxt], sems[nxt])

                pltpu.make_async_copy(
                    emb_hbm.at[idx_v.at[pl.ds(ci * CHUNK_IDX, CHUNK_IDX)]],
                    bufs[parity],
                    sems[parity],
                ).wait()
                _compute(ci, bufs[parity])

        pltpu.sync_copy(bag_v, out_hbm.at[pl.ds(wid * BAGS_PER_W, BAGS_PER_W)])

    return _bag_mean_sc




MLP_BLK = 2048


def _mlp_t_body(x_ref, w1t_ref, b1t_ref, w2t_ref, b2t_ref, w3t_ref, b3t_ref,
                outt_ref):
    bf = jnp.bfloat16
    xt = x_ref[...].astype(bf).T
    h = jnp.dot(w1t_ref[...].astype(bf), xt, preferred_element_type=jnp.float32)
    h = jnp.maximum(h + b1t_ref[...], 0.0)
    h = jnp.dot(w2t_ref[...].astype(bf), h.astype(bf),
                preferred_element_type=jnp.float32)
    h = jnp.maximum(h + b2t_ref[...], 0.0)
    outt_ref[...] = (
        jnp.dot(w3t_ref[...].astype(bf), h.astype(bf),
                preferred_element_type=jnp.float32)
        + b3t_ref[...]
    )


def _mlp_t(bag, W1t, b1t, W2t, b2t, W3t, b3t):
    return pl.pallas_call(
        _mlp_t_body,
        grid=(B // MLP_BLK,),
        in_specs=[
            pl.BlockSpec((MLP_BLK, EMBED), lambda i: (i, 0)),
            pl.BlockSpec((128, EMBED), lambda i: (0, 0)),
            pl.BlockSpec((128, 1), lambda i: (0, 0)),
            pl.BlockSpec((EMBED, 128), lambda i: (0, 0)),
            pl.BlockSpec((EMBED, 1), lambda i: (0, 0)),
            pl.BlockSpec((N_CLASSES, EMBED), lambda i: (0, 0)),
            pl.BlockSpec((N_CLASSES, 1), lambda i: (0, 0)),
        ],
        out_specs=pl.BlockSpec((N_CLASSES, MLP_BLK), lambda i: (0, i)),
        out_shape=jax.ShapeDtypeStruct((N_CLASSES, B), jnp.float32),
    )(bag, W1t, b1t, W2t, b2t, W3t, b3t)


def kernel(X_batch, emb, W1, b1, W2, b2, W3, b3):
    x_flat = X_batch.astype(jnp.int32).reshape(-1) * 2
    emb_pad = jnp.pad(emb, ((0, 0), (0, EMBED))).reshape(2 * VOCAB, EMBED)
    bag = _get_bag_mean_sc()(x_flat, emb_pad)
    out_t = _mlp_t(
        bag,
        W1.T,
        b1.reshape(-1, 1),
        W2.T,
        b2.reshape(-1, 1),
        W3.T,
        b3.reshape(-1, 1),
    )
    return out_t.T

# --- scband reference (transcript-rebuilt; emitter-appended) ---
"""Pipeline reference for scband-embedding-classifier-wbag-27453430956443 (READ-ONLY COPY).

The authoritative reference and input builder live on the scoring server;
editing this copy changes nothing except your own understanding.
"""

import jax, jax.numpy as jnp
import numpy as np

VOCAB = 100000
EMBED = 64
N_CLASSES = 1000
B = 16384
L = 20

def setup_inputs(seed: int = 0) -> dict:
    key = jax.random.key(seed)
    ks = jax.random.split(key, 8)
    X_batch = jax.random.randint(ks[0], (B, L), 0, VOCAB, dtype=jnp.int64)
    emb = jax.random.normal(ks[1], (VOCAB, EMBED), dtype=jnp.float32) * 0.02
    W1 = jax.random.normal(ks[2], (EMBED, 128), dtype=jnp.float32) * (1.0 / np.sqrt(EMBED))
    b1 = jnp.zeros((128,), dtype=jnp.float32)
    W2 = jax.random.normal(ks[3], (128, 64), dtype=jnp.float32) * (1.0 / np.sqrt(128))
    b2 = jnp.zeros((64,), dtype=jnp.float32)
    W3 = jax.random.normal(ks[4], (64, N_CLASSES), dtype=jnp.float32) * (1.0 / np.sqrt(64))
    b3 = jnp.zeros((N_CLASSES,), dtype=jnp.float32)
    return {"X_batch": X_batch, "emb": emb, "W1": W1, "b1": b1, "W2": W2, "b2": b2, "W3": W3, "b3": b3}

def reference(X_batch, emb, W1, b1, W2, b2, W3, b3):
    # nn.EmbeddingBag(mode='mean'): gather then mean over bag dimension
    gathered = jnp.take(emb, X_batch, axis=0)        # [B, L, EMBED]
    bag = jnp.mean(gathered, axis=1)                 # [B, EMBED]
    h = jax.nn.relu(bag @ W1 + b1)                   # Linear(64,128) + ReLU
    h = jax.nn.relu(h @ W2 + b2)                     # Linear(128,64) + ReLU
    out = h @ W3 + b3                                # Linear(64, n_target_classes)
    return out

if __name__ == "__main__":
    import jax
    _d = setup_inputs()
    print(jax.jit(kernel)(*tuple(_d.values())))

</pallas_src>

<mosaic_0001>
#map = affine_map<(d0, d1) -> (0)>
#map1 = affine_map<(d0, d1) -> (0, 0)>
module attributes {stable_mosaic.version = 14 : i64} {
  func.func @_bag_mean_sc(%arg0: i32, %arg1: i32, %arg2: memref<327680xi32, #tpu.memory_space<hbm>>, %arg3: memref<200000x64xf32, #tpu.memory_space<hbm>>, %arg4: memref<16384x64xf32, #tpu.memory_space<hbm>>, %arg5: memref<10240xi32, #tpu.memory_space<vmem>>, %arg6: memref<640x64xf32, #tpu.memory_space<vmem>>, %arg7: memref<640x64xf32, #tpu.memory_space<vmem>>, %arg8: memref<512x64xf32, #tpu.memory_space<vmem>>, %arg9: memref<!tpu.dma_semaphore, #tpu.memory_space<semaphore_mem>>, %arg10: memref<!tpu.dma_semaphore, #tpu.memory_space<semaphore_mem>>) attributes {dimension_semantics = [#tpu.dimension_semantics<core_parallel>, #tpu.dimension_semantics<subcore_parallel>], iteration_bounds = array<i64: 2, 16>, scalar_prefetch = 0 : i64, scratch_operands = 6 : i64, tpu.core_type = #tpu.core_type<sc_vector_subcore>, window_params = [{transform_indices = #map}, {transform_indices = #map1}, {transform_indices = #map1}]} {
    %mul3A = arith.constant 2 : i32
    %mul3A_0 = arith.muli %arg1, %mul3A : i32
    %add3A = arith.addi %mul3A_0, %arg0 : i32
    %mul3A_1 = arith.constant 10240 : i32
    %mul3A_2 = arith.muli %add3A, %mul3A_1 : i32
    "tpu.region"() ({
      %run_scoped3A = tpu.sem_alloc : memref<!tpu.dma_semaphore, #tpu.memory_space<semaphore_mem>>
      %dma_start3A_13 = tpu.memref_slice %arg2[%mul3A_2] : memref<327680xi32, #tpu.memory_space<hbm>> -> memref<10240xi32, #tpu.memory_space<hbm>>
      %dma_start3A_14 = tpu.memref_slice %arg2[%mul3A_2] : memref<327680xi32, #tpu.memory_space<hbm>> -> memref<10240xi32, #tpu.memory_space<hbm>>
      tpu.enqueue_dma source(%dma_start3A_14 : memref<10240xi32, #tpu.memory_space<hbm>>) target(%arg5 : memref<10240xi32, #tpu.memory_space<vmem>>) target_semaphore(%run_scoped3A : memref<!tpu.dma_semaphore, #tpu.memory_space<semaphore_mem>>)
      %dma_wait3A = tpu.memref_slice %arg2[%mul3A_2] : memref<327680xi32, #tpu.memory_space<hbm>> -> memref<10240xi32, #tpu.memory_space<hbm>>
      %dma_wait3A_15 = tpu.memref_slice %arg2[%mul3A_2] : memref<327680xi32, #tpu.memory_space<hbm>> -> memref<10240xi32, #tpu.memory_space<hbm>>
      tpu.wait_dma2 semaphore(%run_scoped3A : memref<!tpu.dma_semaphore, #tpu.memory_space<semaphore_mem>>) src(%dma_wait3A_15 : memref<10240xi32, #tpu.memory_space<hbm>>) dst(%arg5 : memref<10240xi32, #tpu.memory_space<vmem>>)
      tpu.yield
    }) : () -> ()
    %dma_start3A = arith.constant 0 : i32
    %dma_start3A_3 = tpu.memref_slice %arg5[%dma_start3A] : memref<10240xi32, #tpu.memory_space<vmem>> -> memref<640xi32, #tpu.memory_space<vmem>>
    %dma_start3A_4 = arith.constant 0 : i32
    %dma_start3A_5 = arith.constant 0 : i32
    %dma_start3A_6 = tpu.memref_slice %arg3[%dma_start3A_4, %dma_start3A_5] : memref<200000x64xf32, #tpu.memory_space<hbm>> -> memref<200000x64xf32, #tpu.memory_space<hbm>>
    tpu.enqueue_indirect_dma source(%dma_start3A_6 : memref<200000x64xf32, #tpu.memory_space<hbm>>) target(%arg6 : memref<640x64xf32, #tpu.memory_space<vmem>>) offsets(%dma_start3A_3 : memref<640xi32, #tpu.memory_space<vmem>>) semaphore(%arg9 : memref<!tpu.dma_semaphore, #tpu.memory_space<semaphore_mem>>)
    %scan3A = arith.constant 0 : i32
    %scan3A_7 = arith.constant 8 : i32
    %scan3A_8 = arith.addi %scan3A, %scan3A_7 : i32
    %scan3A_9 = arith.constant 1 : i32
    scf.for %scan3A_13 = %scan3A to %scan3A_8 step %scan3A_9  : i32 {
      %mul3A_14 = arith.constant 1 : i32
      %mul3A_15 = arith.muli %scan3A_13, %mul3A_14 : i32
      %add3A_16 = arith.constant 0 : i32
      %add3A_17 = arith.addi %add3A_16, %mul3A_15 : i32
      %mul3A_18 = arith.constant 2 : i32
      %mul3A_19 = arith.muli %add3A_17, %mul3A_18 : i32
      %add3A_20 = arith.constant 0 : i32
      %add3A_21 = arith.addi %mul3A_19, %add3A_20 : i32
      %add3A_22 = arith.constant 1 : i32
      %add3A_23 = arith.addi %add3A_21, %add3A_22 : i32
      %lt3A = arith.constant 16 : i32
      %lt3A_24 = arith.cmpi slt, %add3A_23, %lt3A : i32
      %convert_element_type3A = arith.extui %lt3A_24 : i1 to i32
      %cond3A = arith.constant 0 : i32
      %cond3A_25 = arith.cmpi ne, %convert_element_type3A, %cond3A : i32
      scf.if %cond3A_25 {
        %add3A_58 = arith.constant 1 : i32
        %add3A_59 = arith.addi %add3A_21, %add3A_58 : i32
        %mul3A_60 = arith.constant 640 : i32
        %mul3A_61 = arith.muli %add3A_59, %mul3A_60 : i32
        %dma_start3A_62 = tpu.memref_slice %arg5[%mul3A_61] : memref<10240xi32, #tpu.memory_space<vmem>> -> memref<640xi32, #tpu.memory_space<vmem>>
        %dma_start3A_63 = arith.constant 0 : i32
        %dma_start3A_64 = arith.constant 0 : i32
        %dma_start3A_65 = tpu.memref_slice %arg3[%dma_start3A_63, %dma_start3A_64] : memref<200000x64xf32, #tpu.memory_space<hbm>> -> memref<200000x64xf32, #tpu.memory_space<hbm>>
        tpu.enqueue_indirect_dma source(%dma_start3A_65 : memref<200000x64xf32, #tpu.memory_space<hbm>>) target(%arg7 : memref<640x64xf32, #tpu.memory_space<vmem>>) offsets(%dma_start3A_62 : memref<640xi32, #tpu.memory_space<vmem>>) semaphore(%arg10 : memref<!tpu.dma_semaphore, #tpu.memory_space<semaphore_mem>>)
      } else {
      }
      %mul3A_26 = arith.constant 640 : i32
      %mul3A_27 = arith.muli %add3A_21, %mul3A_26 : i32
      %dma_wait3A = tpu.memref_slice %arg5[%mul3A_27] : memref<10240xi32, #tpu.memory_space<vmem>> -> memref<640xi32, #tpu.memory_space<vmem>>
      %dma_wait3A_28 = arith.constant 0 : i32
      %dma_wait3A_29 = arith.constant 0 : i32
      %dma_wait3A_30 = tpu.memref_slice %arg3[%dma_wait3A_28, %dma_wait3A_29] : memref<200000x64xf32, #tpu.memory_space<hbm>> -> memref<200000x64xf32, #tpu.memory_space<hbm>>
      tpu.wait_indirect_dma semaphore(%arg9 : memref<!tpu.dma_semaphore, #tpu.memory_space<semaphore_mem>>) src(%dma_wait3A_30 : memref<200000x64xf32, #tpu.memory_space<hbm>>) dst(%arg6 : memref<640x64xf32, #tpu.memory_space<vmem>>)
      %scan3A_31 = arith.constant 0 : i32
      %scan3A_32 = arith.constant 32 : i32
      %scan3A_33 = arith.addi %scan3A_31, %scan3A_32 : i32
      %scan3A_34 = arith.constant 1 : i32
      scf.for %scan3A_58 = %scan3A_31 to %scan3A_33 step %scan3A_34  : i32 {
        %mul3A_59 = arith.constant 1 : i32
        %mul3A_60 = arith.muli %scan3A_58, %mul3A_59 : i32
        %add3A_61 = arith.constant 0 : i32
        %add3A_62 = arith.addi %add3A_61, %mul3A_60 : i32
        %mul3A_63 = arith.constant 20 : i32
        %mul3A_64 = arith.muli %add3A_62, %mul3A_63 : i32
        %get3A = arith.index_cast %mul3A_64 : i32 to index
        %get3A_65 = arith.constant 0 : index
        %get3A_66 = tpu.vector_load %arg6[%get3A, %get3A_65] {strides = array<i32>} : memref<640x64xf32, #tpu.memory_space<vmem>>, vector<1x16xf32>,
        %get3A_67 = vector.shape_cast %get3A_66 : vector<1x16xf32> to vector<16xf32>
        %get3A_68 = arith.index_cast %mul3A_64 : i32 to index
        %get3A_69 = arith.constant 16 : index
        %get3A_70 = tpu.vector_load %arg6[%get3A_68, %get3A_69] {strides = array<i32>} : memref<640x64xf32, #tpu.memory_space<vmem>>, vector<1x16xf32>,
        %get3A_71 = vector.shape_cast %get3A_70 : vector<1x16xf32> to vector<16xf32>
        %get3A_72 = arith.index_cast %mul3A_64 : i32 to index
        %get3A_73 = arith.constant 32 : index
        %get3A_74 = tpu.vector_load %arg6[%get3A_72, %get3A_73] {strides = array<i32>} : memref<640x64xf32, #tpu.memory_space<vmem>>, vector<1x16xf32>,
        %get3A_75 = vector.shape_cast %get3A_74 : vector<1x16xf32> to vector<16xf32>
        %get3A_76 = arith.index_cast %mul3A_64 : i32 to index
        %get3A_77 = arith.constant 48 : index
        %get3A_78 = tpu.vector_load %arg6[%get3A_76, %get3A_77] {strides = array<i32>} : memref<640x64xf32, #tpu.memory_space<vmem>>, vector<1x16xf32>,
        %get3A_79 = vector.shape_cast %get3A_78 : vector<1x16xf32> to vector<16xf32>
        %add3A_80 = arith.constant 1 : i32
        %add3A_81 = arith.addi %mul3A_64, %add3A_80 : i32
        %get3A_82 = arith.index_cast %add3A_81 : i32 to index
        %get3A_83 = arith.constant 0 : index
        %get3A_84 = tpu.vector_load %arg6[%get3A_82, %get3A_83] {strides = array<i32>} : memref<640x64xf32, #tpu.memory_space<vmem>>, vector<1x16xf32>,
        %get3A_85 = vector.shape_cast %get3A_84 : vector<1x16xf32> to vector<16xf32>
        %add3A_86 = arith.addf %get3A_67, %get3A_85 : vector<16xf32>
        %add3A_87 = arith.constant 1 : i32
        %add3A_88 = arith.addi %mul3A_64, %add3A_87 : i32
        %get3A_89 = arith.index_cast %add3A_88 : i32 to index
        %get3A_90 = arith.constant 16 : index
        %get3A_91 = tpu.vector_load %arg6[%get3A_89, %get3A_90] {strides = array<i32>} : memref<640x64xf32, #tpu.memory_space<vmem>>, vector<1x16xf32>,
        %get3A_92 = vector.shape_cast %get3A_91 : vector<1x16xf32> to vector<16xf32>
        %add3A_93 = arith.addf %get3A_71, %get3A_92 : vector<16xf32>
        %add3A_94 = arith.constant 1 : i32
        %add3A_95 = arith.addi %mul3A_64, %add3A_94 : i32
        %get3A_96 = arith.index_cast %add3A_95 : i32 to index
        %get3A_97 = arith.constant 32 : index
        %get3A_98 = tpu.vector_load %arg6[%get3A_96, %get3A_97] {strides = array<i32>} : memref<640x64xf32, #tpu.memory_space<vmem>>, vector<1x16xf32>,
        %get3A_99 = vector.shape_cast %get3A_98 : vector<1x16xf32> to vector<16xf32>
        %add3A_100 = arith.addf %get3A_75, %get3A_99 : vector<16xf32>
        %add3A_101 = arith.constant 1 : i32
        %add3A_102 = arith.addi %mul3A_64, %add3A_101 : i32
        %get3A_103 = arith.index_cast %add3A_102 : i32 to index
        %get3A_104 = arith.constant 48 : index
        %get3A_105 = tpu.vector_load %arg6[%get3A_103, %get3A_104] {strides = array<i32>} : memref<640x64xf32, #tpu.memory_space<vmem>>, vector<1x16xf32>,
        %get3A_106 = vector.shape_cast %get3A_105 : vector<1x16xf32> to vector<16xf32>
        %add3A_107 = arith.addf %get3A_79, %get3A_106 : vector<16xf32>
        %add3A_108 = arith.constant 2 : i32
        %add3A_109 = arith.addi %mul3A_64, %add3A_108 : i32
        %get3A_110 = arith.index_cast %add3A_109 : i32 to index
        %get3A_111 = arith.constant 0 : index
        %get3A_112 = tpu.vector_load %arg6[%get3A_110, %get3A_111] {strides = array<i32>} : memref<640x64xf32, #tpu.memory_space<vmem>>, vector<1x16xf32>,
        %get3A_113 = vector.shape_cast %get3A_112 : vector<1x16xf32> to vector<16xf32>
        %add3A_114 = arith.addf %add3A_86, %get3A_113 : vector<16xf32>
        %add3A_115 = arith.constant 2 : i32
        %add3A_116 = arith.addi %mul3A_64, %add3A_115 : i32
        %get3A_117 = arith.index_cast %add3A_116 : i32 to index
        %get3A_118 = arith.constant 16 : index
        %get3A_119 = tpu.vector_load %arg6[%get3A_117, %get3A_118] {strides = array<i32>} : memref<640x64xf32, #tpu.memory_space<vmem>>, vector<1x16xf32>,
        %get3A_120 = vector.shape_cast %get3A_119 : vector<1x16xf32> to vector<16xf32>
        %add3A_121 = arith.addf %add3A_93, %get3A_120 : vector<16xf32>
        %add3A_122 = arith.constant 2 : i32
        %add3A_123 = arith.addi %mul3A_64, %add3A_122 : i32
        %get3A_124 = arith.index_cast %add3A_123 : i32 to index
        %get3A_125 = arith.constant 32 : index
        %get3A_126 = tpu.vector_load %arg6[%get3A_124, %get3A_125] {strides = array<i32>} : memref<640x64xf32, #tpu.memory_space<vmem>>, vector<1x16xf32>,
        %get3A_127 = vector.shape_cast %get3A_126 : vector<1x16xf32> to vector<16xf32>
        %add3A_128 = arith.addf %add3A_100, %get3A_127 : vector<16xf32>
        %add3A_129 = arith.constant 2 : i32
        %add3A_130 = arith.addi %mul3A_64, %add3A_129 : i32
        %get3A_131 = arith.index_cast %add3A_130 : i32 to index
        %get3A_132 = arith.constant 48 : index
        %get3A_133 = tpu.vector_load %arg6[%get3A_131, %get3A_132] {strides = array<i32>} : memref<640x64xf32, #tpu.memory_space<vmem>>, vector<1x16xf32>,
        %get3A_134 = vector.shape_cast %get3A_133 : vector<1x16xf32> to vector<16xf32>
        %add3A_135 = arith.addf %add3A_107, %get3A_134 : vector<16xf32>
        %add3A_136 = arith.constant 3 : i32
        %add3A_137 = arith.addi %mul3A_64, %add3A_136 : i32
        %get3A_138 = arith.index_cast %add3A_137 : i32 to index
        %get3A_139 = arith.constant 0 : index
        %get3A_140 = tpu.vector_load %arg6[%get3A_138, %get3A_139] {strides = array<i32>} : memref<640x64xf32, #tpu.memory_space<vmem>>, vector<1x16xf32>,
        %get3A_141 = vector.shape_cast %get3A_140 : vector<1x16xf32> to vector<16xf32>
        %add3A_142 = arith.addf %add3A_114, %get3A_141 : vector<16xf32>
        %add3A_143 = arith.constant 3 : i32
        %add3A_144 = arith.addi %mul3A_64, %add3A_143 : i32
        %get3A_145 = arith.index_cast %add3A_144 : i32 to index
        %get3A_146 = arith.constant 16 : index
        %get3A_147 = tpu.vector_load %arg6[%get3A_145, %get3A_146] {strides = array<i32>} : memref<640x64xf32, #tpu.memory_space<vmem>>, vector<1x16xf32>,
        %get3A_148 = vector.shape_cast %get3A_147 : vector<1x16xf32> to vector<16xf32>
        %add3A_149 = arith.addf %add3A_121, %get3A_148 : vector<16xf32>
        %add3A_150 = arith.constant 3 : i32
        %add3A_151 = arith.addi %mul3A_64, %add3A_150 : i32
        %get3A_152 = arith.index_cast %add3A_151 : i32 to index
        %get3A_153 = arith.constant 32 : index
        %get3A_154 = tpu.vector_load %arg6[%get3A_152, %get3A_153] {strides = array<i32>} : memref<640x64xf32, #tpu.memory_space<vmem>>, vector<1x16xf32>,
        %get3A_155 = vector.shape_cast %get3A_154 : vector<1x16xf32> to vector<16xf32>
        %add3A_156 = arith.addf %add3A_128, %get3A_155 : vector<16xf32>
        %add3A_157 = arith.constant 3 : i32
        %add3A_158 = arith.addi %mul3A_64, %add3A_157 : i32
        %get3A_159 = arith.index_cast %add3A_158 : i32 to index
        %get3A_160 = arith.constant 48 : index
        %get3A_161 = tpu.vector_load %arg6[%get3A_159, %get3A_160] {strides = array<i32>} : memref<640x64xf32, #tpu.memory_space<vmem>>, vector<1x16xf32>,
        %get3A_162 = vector.shape_cast %get3A_161 : vector<1x16xf32> to vector<16xf32>
        %add3A_163 = arith.addf %add3A_135, %get3A_162 : vector<16xf32>
        %add3A_164 = arith.constant 4 : i32
        %add3A_165 = arith.addi %mul3A_64, %add3A_164 : i32
        %get3A_166 = arith.index_cast %add3A_165 : i32 to index
        %get3A_167 = arith.constant 0 : index
        %get3A_168 = tpu.vector_load %arg6[%get3A_166, %get3A_167] {strides = array<i32>} : memref<640x64xf32, #tpu.memory_space<vmem>>, vector<1x16xf32>,
        %get3A_169 = vector.shape_cast %get3A_168 : vector<1x16xf32> to vector<16xf32>
        %add3A_170 = arith.addf %add3A_142, %get3A_169 : vector<16xf32>
        %add3A_171 = arith.constant 4 : i32
        %add3A_172 = arith.addi %mul3A_64, %add3A_171 : i32
        %get3A_173 = arith.index_cast %add3A_172 : i32 to index
        %get3A_174 = arith.constant 16 : index
        %get3A_175 = tpu.vector_load %arg6[%get3A_173, %get3A_174] {strides = array<i32>} : memref<640x64xf32, #tpu.memory_space<vmem>>, vector<1x16xf32>,
        %get3A_176 = vector.shape_cast %get3A_175 : vector<1x16xf32> to vector<16xf32>
        %add3A_177 = arith.addf %add3A_149, %get3A_176 : vector<16xf32>
        %add3A_178 = arith.constant 4 : i32
        %add3A_179 = arith.addi %mul3A_64, %add3A_178 : i32
        %get3A_180 = arith.index_cast %add3A_179 : i32 to index
        %get3A_181 = arith.constant 32 : index
        %get3A_182 = tpu.vector_load %arg6[%get3A_180, %get3A_181] {strides = array<i32>} : memref<640x64xf32, #tpu.memory_space<vmem>>, vector<1x16xf32>,
        %get3A_183 = vector.shape_cast %get3A_182 : vector<1x16xf32> to vector<16xf32>
        %add3A_184 = arith.addf %add3A_156, %get3A_183 : vector<16xf32>
        %add3A_185 = arith.constant 4 : i32
        %add3A_186 = arith.addi %mul3A_64, %add3A_185 : i32
        %get3A_187 = arith.index_cast %add3A_186 : i32 to index
        %get3A_188 = arith.constant 48 : index
        %get3A_189 = tpu.vector_load %arg6[%get3A_187, %get3A_188] {strides = array<i32>} : memref<640x64xf32, #tpu.memory_space<vmem>>, vector<1x16xf32>,
        %get3A_190 = vector.shape_cast %get3A_189 : vector<1x16xf32> to vector<16xf32>
        %add3A_191 = arith.addf %add3A_163, %get3A_190 : vector<16xf32>
        %add3A_192 = arith.constant 5 : i32
        %add3A_193 = arith.addi %mul3A_64, %add3A_192 : i32
        %get3A_194 = arith.index_cast %add3A_193 : i32 to index
        %get3A_195 = arith.constant 0 : index
        %get3A_196 = tpu.vector_load %arg6[%get3A_194, %get3A_195] {strides = array<i32>} : memref<640x64xf32, #tpu.memory_space<vmem>>, vector<1x16xf32>,
        %get3A_197 = vector.shape_cast %get3A_196 : vector<1x16xf32> to vector<16xf32>
        %add3A_198 = arith.addf %add3A_170, %get3A_197 : vector<16xf32>
        %add3A_199 = arith.constant 5 : i32
        %add3A_200 = arith.addi %mul3A_64, %add3A_199 : i32
        %get3A_201 = arith.index_cast %add3A_200 : i32 to index
        %get3A_202 = arith.constant 16 : index
        %get3A_203 = tpu.vector_load %arg6[%get3A_201, %get3A_202] {strides = array<i32>} : memref<640x64xf32, #tpu.memory_space<vmem>>, vector<1x16xf32>,
        %get3A_204 = vector.shape_cast %get3A_203 : vector<1x16xf32> to vector<16xf32>
        %add3A_205 = arith.addf %add3A_177, %get3A_204 : vector<16xf32>
        %add3A_206 = arith.constant 5 : i32
        %add3A_207 = arith.addi %mul3A_64, %add3A_206 : i32
        %get3A_208 = arith.index_cast %add3A_207 : i32 to index
        %get3A_209 = arith.constant 32 : index
        %get3A_210 = tpu.vector_load %arg6[%get3A_208, %get3A_209] {strides = array<i32>} : memref<640x64xf32, #tpu.memory_space<vmem>>, vector<1x16xf32>,
        %get3A_211 = vector.shape_cast %get3A_210 : vector<1x16xf32> to vector<16xf32>
        %add3A_212 = arith.addf %add3A_184, %get3A_211 : vector<16xf32>
        %add3A_213 = arith.constant 5 : i32
        %add3A_214 = arith.addi %mul3A_64, %add3A_213 : i32
        %get3A_215 = arith.index_cast %add3A_214 : i32 to index
        %get3A_216 = arith.constant 48 : index
        %get3A_217 = tpu.vector_load %arg6[%get3A_215, %get3A_216] {strides = array<i32>} : memref<640x64xf32, #tpu.memory_space<vmem>>, vector<1x16xf32>,
        %get3A_218 = vector.shape_cast %get3A_217 : vector<1x16xf32> to vector<16xf32>
        %add3A_219 = arith.addf %add3A_191, %get3A_218 : vector<16xf32>
        %add3A_220 = arith.constant 6 : i32
        %add3A_221 = arith.addi %mul3A_64, %add3A_220 : i32
        %get3A_222 = arith.index_cast %add3A_221 : i32 to index
        %get3A_223 = arith.constant 0 : index
        %get3A_224 = tpu.vector_load %arg6[%get3A_222, %get3A_223] {strides = array<i32>} : memref<640x64xf32, #tpu.memory_space<vmem>>, vector<1x16xf32>,
        %get3A_225 = vector.shape_cast %get3A_224 : vector<1x16xf32> to vector<16xf32>
        %add3A_226 = arith.addf %add3A_198, %get3A_225 : vector<16xf32>
        %add3A_227 = arith.constant 6 : i32
        %add3A_228 = arith.addi %mul3A_64, %add3A_227 : i32
        %get3A_229 = arith.index_cast %add3A_228 : i32 to index
        %get3A_230 = arith.constant 16 : index
        %get3A_231 = tpu.vector_load %arg6[%get3A_229, %get3A_230] {strides = array<i32>} : memref<640x64xf32, #tpu.memory_space<vmem>>, vector<1x16xf32>,
        %get3A_232 = vector.shape_cast %get3A_231 : vector<1x16xf32> to vector<16xf32>
        %add3A_233 = arith.addf %add3A_205, %get3A_232 : vector<16xf32>
        %add3A_234 = arith.constant 6 : i32
        %add3A_235 = arith.addi %mul3A_64, %add3A_234 : i32
        %get3A_236 = arith.index_cast %add3A_235 : i32 to index
        %get3A_237 = arith.constant 32 : index
        %get3A_238 = tpu.vector_load %arg6[%get3A_236, %get3A_237] {strides = array<i32>} : memref<640x64xf32, #tpu.memory_space<vmem>>, vector<1x16xf32>,
        %get3A_239 = vector.shape_cast %get3A_238 : vector<1x16xf32> to vector<16xf32>
        %add3A_240 = arith.addf %add3A_212, %get3A_239 : vector<16xf32>
        %add3A_241 = arith.constant 6 : i32
        %add3A_242 = arith.addi %mul3A_64, %add3A_241 : i32
        %get3A_243 = arith.index_cast %add3A_242 : i32 to index
        %get3A_244 = arith.constant 48 : index
        %get3A_245 = tpu.vector_load %arg6[%get3A_243, %get3A_244] {strides = array<i32>} : memref<640x64xf32, #tpu.memory_space<vmem>>, vector<1x16xf32>,
        %get3A_246 = vector.shape_cast %get3A_245 : vector<1x16xf32> to vector<16xf32>
        %add3A_247 = arith.addf %add3A_219, %get3A_246 : vector<16xf32>
        %add3A_248 = arith.constant 7 : i32
        %add3A_249 = arith.addi %mul3A_64, %add3A_248 : i32
        %get3A_250 = arith.index_cast %add3A_249 : i32 to index
        %get3A_251 = arith.constant 0 : index
        %get3A_252 = tpu.vector_load %arg6[%get3A_250, %get3A_251] {strides = array<i32>} : memref<640x64xf32, #tpu.memory_space<vmem>>, vector<1x16xf32>,
        %get3A_253 = vector.shape_cast %get3A_252 : vector<1x16xf32> to vector<16xf32>
        %add3A_254 = arith.addf %add3A_226, %get3A_253 : vector<16xf32>
        %add3A_255 = arith.constant 7 : i32
        %add3A_256 = arith.addi %mul3A_64, %add3A_255 : i32
        %get3A_257 = arith.index_cast %add3A_256 : i32 to index
        %get3A_258 = arith.constant 16 : index
        %get3A_259 = tpu.vector_load %arg6[%get3A_257, %get3A_258] {strides = array<i32>} : memref<640x64xf32, #tpu.memory_space<vmem>>, vector<1x16xf32>,
        %get3A_260 = vector.shape_cast %get3A_259 : vector<1x16xf32> to vector<16xf32>
        %add3A_261 = arith.addf %add3A_233, %get3A_260 : vector<16xf32>
        %add3A_262 = arith.constant 7 : i32
        %add3A_263 = arith.addi %mul3A_64, %add3A_262 : i32
        %get3A_264 = arith.index_cast %add3A_263 : i32 to index
        %get3A_265 = arith.constant 32 : index
        %get3A_266 = tpu.vector_load %arg6[%get3A_264, %get3A_265] {strides = array<i32>} : memref<640x64xf32, #tpu.memory_space<vmem>>, vector<1x16xf32>,
        %get3A_267 = vector.shape_cast %get3A_266 : vector<1x16xf32> to vector<16xf32>
        %add3A_268 = arith.addf %add3A_240, %get3A_267 : vector<16xf32>
        %add3A_269 = arith.constant 7 : i32
        %add3A_270 = arith.addi %mul3A_64, %add3A_269 : i32
        %get3A_271 = arith.index_cast %add3A_270 : i32 to index
        %get3A_272 = arith.constant 48 : index
        %get3A_273 = tpu.vector_load %arg6[%get3A_271, %get3A_272] {strides = array<i32>} : memref<640x64xf32, #tpu.memory_space<vmem>>, vector<1x16xf32>,
        %get3A_274 = vector.shape_cast %get3A_273 : vector<1x16xf32> to vector<16xf32>
        %add3A_275 = arith.addf %add3A_247, %get3A_274 : vector<16xf32>
        %add3A_276 = arith.constant 8 : i32
        %add3A_277 = arith.addi %mul3A_64, %add3A_276 : i32
        %get3A_278 = arith.index_cast %add3A_277 : i32 to index
        %get3A_279 = arith.constant 0 : index
        %get3A_280 = tpu.vector_load %arg6[%get3A_278, %get3A_279] {strides = array<i32>} : memref<640x64xf32, #tpu.memory_space<vmem>>, vector<1x16xf32>,
        %get3A_281 = vector.shape_cast %get3A_280 : vector<1x16xf32> to vector<16xf32>
        %add3A_282 = arith.addf %add3A_254, %get3A_281 : vector<16xf32>
        %add3A_283 = arith.constant 8 : i32
        %add3A_284 = arith.addi %mul3A_64, %add3A_283 : i32
        %get3A_285 = arith.index_cast %add3A_284 : i32 to index
        %get3A_286 = arith.constant 16 : index
        %get3A_287 = tpu.vector_load %arg6[%get3A_285, %get3A_286] {strides = array<i32>} : memref<640x64xf32, #tpu.memory_space<vmem>>, vector<1x16xf32>,
        %get3A_288 = vector.shape_cast %get3A_287 : vector<1x16xf32> to vector<16xf32>
        %add3A_289 = arith.addf %add3A_261, %get3A_288 : vector<16xf32>
        %add3A_290 = arith.constant 8 : i32
        %add3A_291 = arith.addi %mul3A_64, %add3A_290 : i32
        %get3A_292 = arith.index_cast %add3A_291 : i32 to index
        %get3A_293 = arith.constant 32 : index
        %get3A_294 = tpu.vector_load %arg6[%get3A_292, %get3A_293] {strides = array<i32>} : memref<640x64xf32, #tpu.memory_space<vmem>>, vector<1x16xf32>,
        %get3A_295 = vector.shape_cast %get3A_294 : vector<1x16xf32> to vector<16xf32>
        %add3A_296 = arith.addf %add3A_268, %get3A_295 : vector<16xf32>
        %add3A_297 = arith.constant 8 : i32
        %add3A_298 = arith.addi %mul3A_64, %add3A_297 : i32
        %get3A_299 = arith.index_cast %add3A_298 : i32 to index
        %get3A_300 = arith.constant 48 : index
        %get3A_301 = tpu.vector_load %arg6[%get3A_299, %get3A_300] {strides = array<i32>} : memref<640x64xf32, #tpu.memory_space<vmem>>, vector<1x16xf32>,
        %get3A_302 = vector.shape_cast %get3A_301 : vector<1x16xf32> to vector<16xf32>
        %add3A_303 = arith.addf %add3A_275, %get3A_302 : vector<16xf32>
        %add3A_304 = arith.constant 9 : i32
        %add3A_305 = arith.addi %mul3A_64, %add3A_304 : i32
        %get3A_306 = arith.index_cast %add3A_305 : i32 to index
        %get3A_307 = arith.constant 0 : index
        %get3A_308 = tpu.vector_load %arg6[%get3A_306, %get3A_307] {strides = array<i32>} : memref<640x64xf32, #tpu.memory_space<vmem>>, vector<1x16xf32>,
        %get3A_309 = vector.shape_cast %get3A_308 : vector<1x16xf32> to vector<16xf32>
        %add3A_310 = arith.addf %add3A_282, %get3A_309 : vector<16xf32>
        %add3A_311 = arith.constant 9 : i32
        %add3A_312 = arith.addi %mul3A_64, %add3A_311 : i32
        %get3A_313 = arith.index_cast %add3A_312 : i32 to index
        %get3A_314 = arith.constant 16 : index
        %get3A_315 = tpu.vector_load %arg6[%get3A_313, %get3A_314] {strides = array<i32>} : memref<640x64xf32, #tpu.memory_space<vmem>>, vector<1x16xf32>,
        %get3A_316 = vector.shape_cast %get3A_315 : vector<1x16xf32> to vector<16xf32>
        %add3A_317 = arith.addf %add3A_289, %get3A_316 : vector<16xf32>
        %add3A_318 = arith.constant 9 : i32
        %add3A_319 = arith.addi %mul3A_64, %add3A_318 : i32
        %get3A_320 = arith.index_cast %add3A_319 : i32 to index
        %get3A_321 = arith.constant 32 : index
        %get3A_322 = tpu.vector_load %arg6[%get3A_320, %get3A_321] {strides = array<i32>} : memref<640x64xf32, #tpu.memory_space<vmem>>, vector<1x16xf32>,
        %get3A_323 = vector.shape_cast %get3A_322 : vector<1x16xf32> to vector<16xf32>
        %add3A_324 = arith.addf %add3A_296, %get3A_323 : vector<16xf32>
        %add3A_325 = arith.constant 9 : i32
        %add3A_326 = arith.addi %mul3A_64, %add3A_325 : i32
        %get3A_327 = arith.index_cast %add3A_326 : i32 to index
        %get3A_328 = arith.constant 48 : index
        %get3A_329 = tpu.vector_load %arg6[%get3A_327, %get3A_328] {strides = array<i32>} : memref<640x64xf32, #tpu.memory_space<vmem>>, vector<1x16xf32>,
        %get3A_330 = vector.shape_cast %get3A_329 : vector<1x16xf32> to vector<16xf32>
        %add3A_331 = arith.addf %add3A_303, %get3A_330 : vector<16xf32>
        %add3A_332 = arith.constant 10 : i32
        %add3A_333 = arith.addi %mul3A_64, %add3A_332 : i32
        %get3A_334 = arith.index_cast %add3A_333 : i32 to index
        %get3A_335 = arith.constant 0 : index
        %get3A_336 = tpu.vector_load %arg6[%get3A_334, %get3A_335] {strides = array<i32>} : memref<640x64xf32, #tpu.memory_space<vmem>>, vector<1x16xf32>,
        %get3A_337 = vector.shape_cast %get3A_336 : vector<1x16xf32> to vector<16xf32>
        %add3A_338 = arith.addf %add3A_310, %get3A_337 : vector<16xf32>
        %add3A_339 = arith.constant 10 : i32
        %add3A_340 = arith.addi %mul3A_64, %add3A_339 : i32
        %get3A_341 = arith.index_cast %add3A_340 : i32 to index
        %get3A_342 = arith.constant 16 : index
        %get3A_343 = tpu.vector_load %arg6[%get3A_341, %get3A_342] {strides = array<i32>} : memref<640x64xf32, #tpu.memory_space<vmem>>, vector<1x16xf32>,
        %get3A_344 = vector.shape_cast %get3A_343 : vector<1x16xf32> to vector<16xf32>
        %add3A_345 = arith.addf %add3A_317, %get3A_344 : vector<16xf32>
        %add3A_346 = arith.constant 10 : i32
        %add3A_347 = arith.addi %mul3A_64, %add3A_346 : i32
        %get3A_348 = arith.index_cast %add3A_347 : i32 to index
        %get3A_349 = arith.constant 32 : index
        %get3A_350 = tpu.vector_load %arg6[%get3A_348, %get3A_349] {strides = array<i32>} : memref<640x64xf32, #tpu.memory_space<vmem>>, vector<1x16xf32>,
        %get3A_351 = vector.shape_cast %get3A_350 : vector<1x16xf32> to vector<16xf32>
        %add3A_352 = arith.addf %add3A_324, %get3A_351 : vector<16xf32>
        %add3A_353 = arith.constant 10 : i32
        %add3A_354 = arith.addi %mul3A_64, %add3A_353 : i32
        %get3A_355 = arith.index_cast %add3A_354 : i32 to index
        %get3A_356 = arith.constant 48 : index
        %get3A_357 = tpu.vector_load %arg6[%get3A_355, %get3A_356] {strides = array<i32>} : memref<640x64xf32, #tpu.memory_space<vmem>>, vector<1x16xf32>,
        %get3A_358 = vector.shape_cast %get3A_357 : vector<1x16xf32> to vector<16xf32>
        %add3A_359 = arith.addf %add3A_331, %get3A_358 : vector<16xf32>
        %add3A_360 = arith.constant 11 : i32
        %add3A_361 = arith.addi %mul3A_64, %add3A_360 : i32
        %get3A_362 = arith.index_cast %add3A_361 : i32 to index
        %get3A_363 = arith.constant 0 : index
        %get3A_364 = tpu.vector_load %arg6[%get3A_362, %get3A_363] {strides = array<i32>} : memref<640x64xf32, #tpu.memory_space<vmem>>, vector<1x16xf32>,
        %get3A_365 = vector.shape_cast %get3A_364 : vector<1x16xf32> to vector<16xf32>
        %add3A_366 = arith.addf %add3A_338, %get3A_365 : vector<16xf32>
        %add3A_367 = arith.constant 11 : i32
        %add3A_368 = arith.addi %mul3A_64, %add3A_367 : i32
        %get3A_369 = arith.index_cast %add3A_368 : i32 to index
        %get3A_370 = arith.constant 16 : index
        %get3A_371 = tpu.vector_load %arg6[%get3A_369, %get3A_370] {strides = array<i32>} : memref<640x64xf32, #tpu.memory_space<vmem>>, vector<1x16xf32>,
        %get3A_372 = vector.shape_cast %get3A_371 : vector<1x16xf32> to vector<16xf32>
        %add3A_373 = arith.addf %add3A_345, %get3A_372 : vector<16xf32>
        %add3A_374 = arith.constant 11 : i32
        %add3A_375 = arith.addi %mul3A_64, %add3A_374 : i32
        %get3A_376 = arith.index_cast %add3A_375 : i32 to index
        %get3A_377 = arith.constant 32 : index
        %get3A_378 = tpu.vector_load %arg6[%get3A_376, %get3A_377] {strides = array<i32>} : memref<640x64xf32, #tpu.memory_space<vmem>>, vector<1x16xf32>,
        %get3A_379 = vector.shape_cast %get3A_378 : vector<1x16xf32> to vector<16xf32>
        %add3A_380 = arith.addf %add3A_352, %get3A_379 : vector<16xf32>
        %add3A_381 = arith.constant 11 : i32
        %add3A_382 = arith.addi %mul3A_64, %add3A_381 : i32
        %get3A_383 = arith.index_cast %add3A_382 : i32 to index
        %get3A_384 = arith.constant 48 : index
        %get3A_385 = tpu.vector_load %arg6[%get3A_383, %get3A_384] {strides = array<i32>} : memref<640x64xf32, #tpu.memory_space<vmem>>, vector<1x16xf32>,
        %get3A_386 = vector.shape_cast %get3A_385 : vector<1x16xf32> to vector<16xf32>
        %add3A_387 = arith.addf %add3A_359, %get3A_386 : vector<16xf32>
        %add3A_388 = arith.constant 12 : i32
        %add3A_389 = arith.addi %mul3A_64, %add3A_388 : i32
        %get3A_390 = arith.index_cast %add3A_389 : i32 to index
        %get3A_391 = arith.constant 0 : index
        %get3A_392 = tpu.vector_load %arg6[%get3A_390, %get3A_391] {strides = array<i32>} : memref<640x64xf32, #tpu.memory_space<vmem>>, vector<1x16xf32>,
        %get3A_393 = vector.shape_cast %get3A_392 : vector<1x16xf32> to vector<16xf32>
        %add3A_394 = arith.addf %add3A_366, %get3A_393 : vector<16xf32>
        %add3A_395 = arith.constant 12 : i32
        %add3A_396 = arith.addi %mul3A_64, %add3A_395 : i32
        %get3A_397 = arith.index_cast %add3A_396 : i32 to index
        %get3A_398 = arith.constant 16 : index
        %get3A_399 = tpu.vector_load %arg6[%get3A_397, %get3A_398] {strides = array<i32>} : memref<640x64xf32, #tpu.memory_space<vmem>>, vector<1x16xf32>,
        %get3A_400 = vector.shape_cast %get3A_399 : vector<1x16xf32> to vector<16xf32>
        %add3A_401 = arith.addf %add3A_373, %get3A_400 : vector<16xf32>
        %add3A_402 = arith.constant 12 : i32
        %add3A_403 = arith.addi %mul3A_64, %add3A_402 : i32
        %get3A_404 = arith.index_cast %add3A_403 : i32 to index
        %get3A_405 = arith.constant 32 : index
        %get3A_406 = tpu.vector_load %arg6[%get3A_404, %get3A_405] {strides = array<i32>} : memref<640x64xf32, #tpu.memory_space<vmem>>, vector<1x16xf32>,
        %get3A_407 = vector.shape_cast %get3A_406 : vector<1x16xf32> to vector<16xf32>
        %add3A_408 = arith.addf %add3A_380, %get3A_407 : vector<16xf32>
        %add3A_409 = arith.constant 12 : i32
        %add3A_410 = arith.addi %mul3A_64, %add3A_409 : i32
        %get3A_411 = arith.index_cast %add3A_410 : i32 to index
        %get3A_412 = arith.constant 48 : index
        %get3A_413 = tpu.vector_load %arg6[%get3A_411, %get3A_412] {strides = array<i32>} : memref<640x64xf32, #tpu.memory_space<vmem>>, vector<1x16xf32>,
        %get3A_414 = vector.shape_cast %get3A_413 : vector<1x16xf32> to vector<16xf32>
        %add3A_415 = arith.addf %add3A_387, %get3A_414 : vector<16xf32>
        %add3A_416 = arith.constant 13 : i32
        %add3A_417 = arith.addi %mul3A_64, %add3A_416 : i32
        %get3A_418 = arith.index_cast %add3A_417 : i32 to index
        %get3A_419 = arith.constant 0 : index
        %get3A_420 = tpu.vector_load %arg6[%get3A_418, %get3A_419] {strides = array<i32>} : memref<640x64xf32, #tpu.memory_space<vmem>>, vector<1x16xf32>,
        %get3A_421 = vector.shape_cast %get3A_420 : vector<1x16xf32> to vector<16xf32>
        %add3A_422 = arith.addf %add3A_394, %get3A_421 : vector<16xf32>
        %add3A_423 = arith.constant 13 : i32
        %add3A_424 = arith.addi %mul3A_64, %add3A_423 : i32
        %get3A_425 = arith.index_cast %add3A_424 : i32 to index
        %get3A_426 = arith.constant 16 : index
        %get3A_427 = tpu.vector_load %arg6[%get3A_425, %get3A_426] {strides = array<i32>} : memref<640x64xf32, #tpu.memory_space<vmem>>, vector<1x16xf32>,
        %get3A_428 = vector.shape_cast %get3A_427 : vector<1x16xf32> to vector<16xf32>
        %add3A_429 = arith.addf %add3A_401, %get3A_428 : vector<16xf32>
        %add3A_430 = arith.constant 13 : i32
        %add3A_431 = arith.addi %mul3A_64, %add3A_430 : i32
        %get3A_432 = arith.index_cast %add3A_431 : i32 to index
        %get3A_433 = arith.constant 32 : index
        %get3A_434 = tpu.vector_load %arg6[%get3A_432, %get3A_433] {strides = array<i32>} : memref<640x64xf32, #tpu.memory_space<vmem>>, vector<1x16xf32>,
        %get3A_435 = vector.shape_cast %get3A_434 : vector<1x16xf32> to vector<16xf32>
        %add3A_436 = arith.addf %add3A_408, %get3A_435 : vector<16xf32>
        %add3A_437 = arith.constant 13 : i32
        %add3A_438 = arith.addi %mul3A_64, %add3A_437 : i32
        %get3A_439 = arith.index_cast %add3A_438 : i32 to index
        %get3A_440 = arith.constant 48 : index
        %get3A_441 = tpu.vector_load %arg6[%get3A_439, %get3A_440] {strides = array<i32>} : memref<640x64xf32, #tpu.memory_space<vmem>>, vector<1x16xf32>,
        %get3A_442 = vector.shape_cast %get3A_441 : vector<1x16xf32> to vector<16xf32>
        %add3A_443 = arith.addf %add3A_415, %get3A_442 : vector<16xf32>
        %add3A_444 = arith.constant 14 : i32
        %add3A_445 = arith.addi %mul3A_64, %add3A_444 : i32
        %get3A_446 = arith.index_cast %add3A_445 : i32 to index
        %get3A_447 = arith.constant 0 : index
        %get3A_448 = tpu.vector_load %arg6[%get3A_446, %get3A_447] {strides = array<i32>} : memref<640x64xf32, #tpu.memory_space<vmem>>, vector<1x16xf32>,
        %get3A_449 = vector.shape_cast %get3A_448 : vector<1x16xf32> to vector<16xf32>
        %add3A_450 = arith.addf %add3A_422, %get3A_449 : vector<16xf32>
        %add3A_451 = arith.constant 14 : i32
        %add3A_452 = arith.addi %mul3A_64, %add3A_451 : i32
        %get3A_453 = arith.index_cast %add3A_452 : i32 to index
        %get3A_454 = arith.constant 16 : index
        %get3A_455 = tpu.vector_load %arg6[%get3A_453, %get3A_454] {strides = array<i32>} : memref<640x64xf32, #tpu.memory_space<vmem>>, vector<1x16xf32>,
        %get3A_456 = vector.shape_cast %get3A_455 : vector<1x16xf32> to vector<16xf32>
        %add3A_457 = arith.addf %add3A_429, %get3A_456 : vector<16xf32>
        %add3A_458 = arith.constant 14 : i32
        %add3A_459 = arith.addi %mul3A_64, %add3A_458 : i32
        %get3A_460 = arith.index_cast %add3A_459 : i32 to index
        %get3A_461 = arith.constant 32 : index
        %get3A_462 = tpu.vector_load %arg6[%get3A_460, %get3A_461] {strides = array<i32>} : memref<640x64xf32, #tpu.memory_space<vmem>>, vector<1x16xf32>,
        %get3A_463 = vector.shape_cast %get3A_462 : vector<1x16xf32> to vector<16xf32>
        %add3A_464 = arith.addf %add3A_436, %get3A_463 : vector<16xf32>
        %add3A_465 = arith.constant 14 : i32
        %add3A_466 = arith.addi %mul3A_64, %add3A_465 : i32
        %get3A_467 = arith.index_cast %add3A_466 : i32 to index
        %get3A_468 = arith.constant 48 : index
        %get3A_469 = tpu.vector_load %arg6[%get3A_467, %get3A_468] {strides = array<i32>} : memref<640x64xf32, #tpu.memory_space<vmem>>, vector<1x16xf32>,
        %get3A_470 = vector.shape_cast %get3A_469 : vector<1x16xf32> to vector<16xf32>
        %add3A_471 = arith.addf %add3A_443, %get3A_470 : vector<16xf32>
        %add3A_472 = arith.constant 15 : i32
        %add3A_473 = arith.addi %mul3A_64, %add3A_472 : i32
        %get3A_474 = arith.index_cast %add3A_473 : i32 to index
        %get3A_475 = arith.constant 0 : index
        %get3A_476 = tpu.vector_load %arg6[%get3A_474, %get3A_475] {strides = array<i32>} : memref<640x64xf32, #tpu.memory_space<vmem>>, vector<1x16xf32>,
        %get3A_477 = vector.shape_cast %get3A_476 : vector<1x16xf32> to vector<16xf32>
        %add3A_478 = arith.addf %add3A_450, %get3A_477 : vector<16xf32>
        %add3A_479 = arith.constant 15 : i32
        %add3A_480 = arith.addi %mul3A_64, %add3A_479 : i32
        %get3A_481 = arith.index_cast %add3A_480 : i32 to index
        %get3A_482 = arith.constant 16 : index
        %get3A_483 = tpu.vector_load %arg6[%get3A_481, %get3A_482] {strides = array<i32>} : memref<640x64xf32, #tpu.memory_space<vmem>>, vector<1x16xf32>,
        %get3A_484 = vector.shape_cast %get3A_483 : vector<1x16xf32> to vector<16xf32>
        %add3A_485 = arith.addf %add3A_457, %get3A_484 : vector<16xf32>
        %add3A_486 = arith.constant 15 : i32
        %add3A_487 = arith.addi %mul3A_64, %add3A_486 : i32
        %get3A_488 = arith.index_cast %add3A_487 : i32 to index
        %get3A_489 = arith.constant 32 : index
        %get3A_490 = tpu.vector_load %arg6[%get3A_488, %get3A_489] {strides = array<i32>} : memref<640x64xf32, #tpu.memory_space<vmem>>, vector<1x16xf32>,
        %get3A_491 = vector.shape_cast %get3A_490 : vector<1x16xf32> to vector<16xf32>
        %add3A_492 = arith.addf %add3A_464, %get3A_491 : vector<16xf32>
        %add3A_493 = arith.constant 15 : i32
        %add3A_494 = arith.addi %mul3A_64, %add3A_493 : i32
        %get3A_495 = arith.index_cast %add3A_494 : i32 to index
        %get3A_496 = arith.constant 48 : index
        %get3A_497 = tpu.vector_load %arg6[%get3A_495, %get3A_496] {strides = array<i32>} : memref<640x64xf32, #tpu.memory_space<vmem>>, vector<1x16xf32>,
        %get3A_498 = vector.shape_cast %get3A_497 : vector<1x16xf32> to vector<16xf32>
        %add3A_499 = arith.addf %add3A_471, %get3A_498 : vector<16xf32>
        %add3A_500 = arith.constant 16 : i32
        %add3A_501 = arith.addi %mul3A_64, %add3A_500 : i32
        %get3A_502 = arith.index_cast %add3A_501 : i32 to index
        %get3A_503 = arith.constant 0 : index
        %get3A_504 = tpu.vector_load %arg6[%get3A_502, %get3A_503] {strides = array<i32>} : memref<640x64xf32, #tpu.memory_space<vmem>>, vector<1x16xf32>,
        %get3A_505 = vector.shape_cast %get3A_504 : vector<1x16xf32> to vector<16xf32>
        %add3A_506 = arith.addf %add3A_478, %get3A_505 : vector<16xf32>
        %add3A_507 = arith.constant 16 : i32
        %add3A_508 = arith.addi %mul3A_64, %add3A_507 : i32
        %get3A_509 = arith.index_cast %add3A_508 : i32 to index
        %get3A_510 = arith.constant 16 : index
        %get3A_511 = tpu.vector_load %arg6[%get3A_509, %get3A_510] {strides = array<i32>} : memref<640x64xf32, #tpu.memory_space<vmem>>, vector<1x16xf32>,
        %get3A_512 = vector.shape_cast %get3A_511 : vector<1x16xf32> to vector<16xf32>
        %add3A_513 = arith.addf %add3A_485, %get3A_512 : vector<16xf32>
        %add3A_514 = arith.constant 16 : i32
        %add3A_515 = arith.addi %mul3A_64, %add3A_514 : i32
        %get3A_516 = arith.index_cast %add3A_515 : i32 to index
        %get3A_517 = arith.constant 32 : index
        %get3A_518 = tpu.vector_load %arg6[%get3A_516, %get3A_517] {strides = array<i32>} : memref<640x64xf32, #tpu.memory_space<vmem>>, vector<1x16xf32>,
        %get3A_519 = vector.shape_cast %get3A_518 : vector<1x16xf32> to vector<16xf32>
        %add3A_520 = arith.addf %add3A_492, %get3A_519 : vector<16xf32>
        %add3A_521 = arith.constant 16 : i32
        %add3A_522 = arith.addi %mul3A_64, %add3A_521 : i32
        %get3A_523 = arith.index_cast %add3A_522 : i32 to index
        %get3A_524 = arith.constant 48 : index
        %get3A_525 = tpu.vector_load %arg6[%get3A_523, %get3A_524] {strides = array<i32>} : memref<640x64xf32, #tpu.memory_space<vmem>>, vector<1x16xf32>,
        %get3A_526 = vector.shape_cast %get3A_525 : vector<1x16xf32> to vector<16xf32>
        %add3A_527 = arith.addf %add3A_499, %get3A_526 : vector<16xf32>
        %add3A_528 = arith.constant 17 : i32
        %add3A_529 = arith.addi %mul3A_64, %add3A_528 : i32
        %get3A_530 = arith.index_cast %add3A_529 : i32 to index
        %get3A_531 = arith.constant 0 : index
        %get3A_532 = tpu.vector_load %arg6[%get3A_530, %get3A_531] {strides = array<i32>} : memref<640x64xf32, #tpu.memory_space<vmem>>, vector<1x16xf32>,
        %get3A_533 = vector.shape_cast %get3A_532 : vector<1x16xf32> to vector<16xf32>
        %add3A_534 = arith.addf %add3A_506, %get3A_533 : vector<16xf32>
        %add3A_535 = arith.constant 17 : i32
        %add3A_536 = arith.addi %mul3A_64, %add3A_535 : i32
        %get3A_537 = arith.index_cast %add3A_536 : i32 to index
        %get3A_538 = arith.constant 16 : index
        %get3A_539 = tpu.vector_load %arg6[%get3A_537, %get3A_538] {strides = array<i32>} : memref<640x64xf32, #tpu.memory_space<vmem>>, vector<1x16xf32>,
        %get3A_540 = vector.shape_cast %get3A_539 : vector<1x16xf32> to vector<16xf32>
        %add3A_541 = arith.addf %add3A_513, %get3A_540 : vector<16xf32>
        %add3A_542 = arith.constant 17 : i32
        %add3A_543 = arith.addi %mul3A_64, %add3A_542 : i32
        %get3A_544 = arith.index_cast %add3A_543 : i32 to index
        %get3A_545 = arith.constant 32 : index
        %get3A_546 = tpu.vector_load %arg6[%get3A_544, %get3A_545] {strides = array<i32>} : memref<640x64xf32, #tpu.memory_space<vmem>>, vector<1x16xf32>,
        %get3A_547 = vector.shape_cast %get3A_546 : vector<1x16xf32> to vector<16xf32>
        %add3A_548 = arith.addf %add3A_520, %get3A_547 : vector<16xf32>
        %add3A_549 = arith.constant 17 : i32
        %add3A_550 = arith.addi %mul3A_64, %add3A_549 : i32
        %get3A_551 = arith.index_cast %add3A_550 : i32 to index
        %get3A_552 = arith.constant 48 : index
        %get3A_553 = tpu.vector_load %arg6[%get3A_551, %get3A_552] {strides = array<i32>} : memref<640x64xf32, #tpu.memory_space<vmem>>, vector<1x16xf32>,
        %get3A_554 = vector.shape_cast %get3A_553 : vector<1x16xf32> to vector<16xf32>
        %add3A_555 = arith.addf %add3A_527, %get3A_554 : vector<16xf32>
        %add3A_556 = arith.constant 18 : i32
        %add3A_557 = arith.addi %mul3A_64, %add3A_556 : i32
        %get3A_558 = arith.index_cast %add3A_557 : i32 to index
        %get3A_559 = arith.constant 0 : index
        %get3A_560 = tpu.vector_load %arg6[%get3A_558, %get3A_559] {strides = array<i32>} : memref<640x64xf32, #tpu.memory_space<vmem>>, vector<1x16xf32>,
        %get3A_561 = vector.shape_cast %get3A_560 : vector<1x16xf32> to vector<16xf32>
        %add3A_562 = arith.addf %add3A_534, %get3A_561 : vector<16xf32>
        %add3A_563 = arith.constant 18 : i32
        %add3A_564 = arith.addi %mul3A_64, %add3A_563 : i32
        %get3A_565 = arith.index_cast %add3A_564 : i32 to index
        %get3A_566 = arith.constant 16 : index
        %get3A_567 = tpu.vector_load %arg6[%get3A_565, %get3A_566] {strides = array<i32>} : memref<640x64xf32, #tpu.memory_space<vmem>>, vector<1x16xf32>,
        %get3A_568 = vector.shape_cast %get3A_567 : vector<1x16xf32> to vector<16xf32>
        %add3A_569 = arith.addf %add3A_541, %get3A_568 : vector<16xf32>
        %add3A_570 = arith.constant 18 : i32
        %add3A_571 = arith.addi %mul3A_64, %add3A_570 : i32
        %get3A_572 = arith.index_cast %add3A_571 : i32 to index
        %get3A_573 = arith.constant 32 : index
        %get3A_574 = tpu.vector_load %arg6[%get3A_572, %get3A_573] {strides = array<i32>} : memref<640x64xf32, #tpu.memory_space<vmem>>, vector<1x16xf32>,
        %get3A_575 = vector.shape_cast %get3A_574 : vector<1x16xf32> to vector<16xf32>
        %add3A_576 = arith.addf %add3A_548, %get3A_575 : vector<16xf32>
        %add3A_577 = arith.constant 18 : i32
        %add3A_578 = arith.addi %mul3A_64, %add3A_577 : i32
        %get3A_579 = arith.index_cast %add3A_578 : i32 to index
        %get3A_580 = arith.constant 48 : index
        %get3A_581 = tpu.vector_load %arg6[%get3A_579, %get3A_580] {strides = array<i32>} : memref<640x64xf32, #tpu.memory_space<vmem>>, vector<1x16xf32>,
        %get3A_582 = vector.shape_cast %get3A_581 : vector<1x16xf32> to vector<16xf32>
        %add3A_583 = arith.addf %add3A_555, %get3A_582 : vector<16xf32>
        %add3A_584 = arith.constant 19 : i32
        %add3A_585 = arith.addi %mul3A_64, %add3A_584 : i32
        %get3A_586 = arith.index_cast %add3A_585 : i32 to index
        %get3A_587 = arith.constant 0 : index
        %get3A_588 = tpu.vector_load %arg6[%get3A_586, %get3A_587] {strides = array<i32>} : memref<640x64xf32, #tpu.memory_space<vmem>>, vector<1x16xf32>,
        %get3A_589 = vector.shape_cast %get3A_588 : vector<1x16xf32> to vector<16xf32>
        %add3A_590 = arith.addf %add3A_562, %get3A_589 : vector<16xf32>
        %add3A_591 = arith.constant 19 : i32
        %add3A_592 = arith.addi %mul3A_64, %add3A_591 : i32
        %get3A_593 = arith.index_cast %add3A_592 : i32 to index
        %get3A_594 = arith.constant 16 : index
        %get3A_595 = tpu.vector_load %arg6[%get3A_593, %get3A_594] {strides = array<i32>} : memref<640x64xf32, #tpu.memory_space<vmem>>, vector<1x16xf32>,
        %get3A_596 = vector.shape_cast %get3A_595 : vector<1x16xf32> to vector<16xf32>
        %add3A_597 = arith.addf %add3A_569, %get3A_596 : vector<16xf32>
        %add3A_598 = arith.constant 19 : i32
        %add3A_599 = arith.addi %mul3A_64, %add3A_598 : i32
        %get3A_600 = arith.index_cast %add3A_599 : i32 to index
        %get3A_601 = arith.constant 32 : index
        %get3A_602 = tpu.vector_load %arg6[%get3A_600, %get3A_601] {strides = array<i32>} : memref<640x64xf32, #tpu.memory_space<vmem>>, vector<1x16xf32>,
        %get3A_603 = vector.shape_cast %get3A_602 : vector<1x16xf32> to vector<16xf32>
        %add3A_604 = arith.addf %add3A_576, %get3A_603 : vector<16xf32>
        %add3A_605 = arith.constant 19 : i32
        %add3A_606 = arith.addi %mul3A_64, %add3A_605 : i32
        %get3A_607 = arith.index_cast %add3A_606 : i32 to index
        %get3A_608 = arith.constant 48 : index
        %get3A_609 = tpu.vector_load %arg6[%get3A_607, %get3A_608] {strides = array<i32>} : memref<640x64xf32, #tpu.memory_space<vmem>>, vector<1x16xf32>,
        %get3A_610 = vector.shape_cast %get3A_609 : vector<1x16xf32> to vector<16xf32>
        %add3A_611 = arith.addf %add3A_583, %get3A_610 : vector<16xf32>
        %mul3A_612 = arith.constant 32 : i32
        %mul3A_613 = arith.muli %add3A_21, %mul3A_612 : i32
        %add3A_614 = arith.addi %mul3A_613, %add3A_62 : i32
        %mul3A_615 = arith.constant 5.000000e-02 : f32
        %mul3A_616 = vector.broadcast %mul3A_615 : f32 to vector<16xf32>
        %mul3A_617 = arith.mulf %add3A_590, %mul3A_616 : vector<16xf32>
        %swap3A = arith.index_cast %add3A_614 : i32 to index
        %swap3A_618 = arith.constant 0 : index
        %swap3A_619 = tpu.vector_load %arg8[%swap3A, %swap3A_618] {strides = array<i32>} : memref<512x64xf32, #tpu.memory_space<vmem>>, vector<1x16xf32>,
        %swap3A_620 = vector.shape_cast %swap3A_619 : vector<1x16xf32> to vector<16xf32>
        %swap3A_621 = vector.shape_cast %mul3A_617 : vector<16xf32> to vector<1x16xf32>
        tpu.vector_store %arg8[%swap3A, %swap3A_618], %swap3A_621 {strides = array<i32>} : memref<512x64xf32, #tpu.memory_space<vmem>>, vector<1x16xf32>,
        %mul3A_622 = arith.constant 5.000000e-02 : f32
        %mul3A_623 = vector.broadcast %mul3A_622 : f32 to vector<16xf32>
        %mul3A_624 = arith.mulf %add3A_597, %mul3A_623 : vector<16xf32>
        %swap3A_625 = arith.index_cast %add3A_614 : i32 to index
        %swap3A_626 = arith.constant 16 : index
        %swap3A_627 = tpu.vector_load %arg8[%swap3A_625, %swap3A_626] {strides = array<i32>} : memref<512x64xf32, #tpu.memory_space<vmem>>, vector<1x16xf32>,
        %swap3A_628 = vector.shape_cast %swap3A_627 : vector<1x16xf32> to vector<16xf32>
        %swap3A_629 = vector.shape_cast %mul3A_624 : vector<16xf32> to vector<1x16xf32>
        tpu.vector_store %arg8[%swap3A_625, %swap3A_626], %swap3A_629 {strides = array<i32>} : memref<512x64xf32, #tpu.memory_space<vmem>>, vector<1x16xf32>,
        %mul3A_630 = arith.constant 5.000000e-02 : f32
        %mul3A_631 = vector.broadcast %mul3A_630 : f32 to vector<16xf32>
        %mul3A_632 = arith.mulf %add3A_604, %mul3A_631 : vector<16xf32>
        %swap3A_633 = arith.index_cast %add3A_614 : i32 to index
        %swap3A_634 = arith.constant 32 : index
        %swap3A_635 = tpu.vector_load %arg8[%swap3A_633, %swap3A_634] {strides = array<i32>} : memref<512x64xf32, #tpu.memory_space<vmem>>, vector<1x16xf32>,
        %swap3A_636 = vector.shape_cast %swap3A_635 : vector<1x16xf32> to vector<16xf32>
        %swap3A_637 = vector.shape_cast %mul3A_632 : vector<16xf32> to vector<1x16xf32>
        tpu.vector_store %arg8[%swap3A_633, %swap3A_634], %swap3A_637 {strides = array<i32>} : memref<512x64xf32, #tpu.memory_space<vmem>>, vector<1x16xf32>,
        %mul3A_638 = arith.constant 5.000000e-02 : f32
        %mul3A_639 = vector.broadcast %mul3A_638 : f32 to vector<16xf32>
        %mul3A_640 = arith.mulf %add3A_611, %mul3A_639 : vector<16xf32>
        %swap3A_641 = arith.index_cast %add3A_614 : i32 to index
        %swap3A_642 = arith.constant 48 : index
        %swap3A_643 = tpu.vector_load %arg8[%swap3A_641, %swap3A_642] {strides = array<i32>} : memref<512x64xf32, #tpu.memory_space<vmem>>, vector<1x16xf32>,
        %swap3A_644 = vector.shape_cast %swap3A_643 : vector<1x16xf32> to vector<16xf32>
        %swap3A_645 = vector.shape_cast %mul3A_640 : vector<16xf32> to vector<1x16xf32>
        tpu.vector_store %arg8[%swap3A_641, %swap3A_642], %swap3A_645 {strides = array<i32>} : memref<512x64xf32, #tpu.memory_space<vmem>>, vector<1x16xf32>,
      }
      %scan3A_35 = arith.constant 32 : i32
      %mul3A_36 = arith.constant 2 : i32
      %mul3A_37 = arith.muli %add3A_17, %mul3A_36 : i32
      %add3A_38 = arith.constant 1 : i32
      %add3A_39 = arith.addi %mul3A_37, %add3A_38 : i32
      %add3A_40 = arith.constant 1 : i32
      %add3A_41 = arith.addi %add3A_39, %add3A_40 : i32
      %lt3A_42 = arith.constant 16 : i32
      %lt3A_43 = arith.cmpi slt, %add3A_41, %lt3A_42 : i32
      %convert_element_type3A_44 = arith.extui %lt3A_43 : i1 to i32
      %cond3A_45 = arith.constant 0 : i32
      %cond3A_46 = arith.cmpi ne, %convert_element_type3A_44, %cond3A_45 : i32
      scf.if %cond3A_46 {
        %add3A_58 = arith.constant 1 : i32
        %add3A_59 = arith.addi %add3A_39, %add3A_58 : i32
        %mul3A_60 = arith.constant 640 : i32
        %mul3A_61 = arith.muli %add3A_59, %mul3A_60 : i32
        %dma_start3A_62 = tpu.memref_slice %arg5[%mul3A_61] : memref<10240xi32, #tpu.memory_space<vmem>> -> memref<640xi32, #tpu.memory_space<vmem>>
        %dma_start3A_63 = arith.constant 0 : i32
        %dma_start3A_64 = arith.constant 0 : i32
        %dma_start3A_65 = tpu.memref_slice %arg3[%dma_start3A_63, %dma_start3A_64] : memref<200000x64xf32, #tpu.memory_space<hbm>> -> memref<200000x64xf32, #tpu.memory_space<hbm>>
        tpu.enqueue_indirect_dma source(%dma_start3A_65 : memref<200000x64xf32, #tpu.memory_space<hbm>>) target(%arg6 : memref<640x64xf32, #tpu.memory_space<vmem>>) offsets(%dma_start3A_62 : memref<640xi32, #tpu.memory_space<vmem>>) semaphore(%arg9 : memref<!tpu.dma_semaphore, #tpu.memory_space<semaphore_mem>>)
      } else {
      }
      %mul3A_47 = arith.constant 640 : i32
      %mul3A_48 = arith.muli %add3A_39, %mul3A_47 : i32
      %dma_wait3A_49 = tpu.memref_slice %arg5[%mul3A_48] : memref<10240xi32, #tpu.memory_space<vmem>> -> memref<640xi32, #tpu.memory_space<vmem>>
      %dma_wait3A_50 = arith.constant 0 : i32
      %dma_wait3A_51 = arith.constant 0 : i32
      %dma_wait3A_52 = tpu.memref_slice %arg3[%dma_wait3A_50, %dma_wait3A_51] : memref<200000x64xf32, #tpu.memory_space<hbm>> -> memref<200000x64xf32, #tpu.memory_space<hbm>>
      tpu.wait_indirect_dma semaphore(%arg10 : memref<!tpu.dma_semaphore, #tpu.memory_space<semaphore_mem>>) src(%dma_wait3A_52 : memref<200000x64xf32, #tpu.memory_space<hbm>>) dst(%arg7 : memref<640x64xf32, #tpu.memory_space<vmem>>)
      %scan3A_53 = arith.constant 0 : i32
      %scan3A_54 = arith.constant 32 : i32
      %scan3A_55 = arith.addi %scan3A_53, %scan3A_54 : i32
      %scan3A_56 = arith.constant 1 : i32
      scf.for %scan3A_58 = %scan3A_53 to %scan3A_55 step %scan3A_56  : i32 {
        %mul3A_59 = arith.constant 1 : i32
        %mul3A_60 = arith.muli %scan3A_58, %mul3A_59 : i32
        %add3A_61 = arith.constant 0 : i32
        %add3A_62 = arith.addi %add3A_61, %mul3A_60 : i32
        %mul3A_63 = arith.constant 20 : i32
        %mul3A_64 = arith.muli %add3A_62, %mul3A_63 : i32
        %get3A = arith.index_cast %mul3A_64 : i32 to index
        %get3A_65 = arith.constant 0 : index
        %get3A_66 = tpu.vector_load %arg7[%get3A, %get3A_65] {strides = array<i32>} : memref<640x64xf32, #tpu.memory_space<vmem>>, vector<1x16xf32>,
        %get3A_67 = vector.shape_cast %get3A_66 : vector<1x16xf32> to vector<16xf32>
        %get3A_68 = arith.index_cast %mul3A_64 : i32 to index
        %get3A_69 = arith.constant 16 : index
        %get3A_70 = tpu.vector_load %arg7[%get3A_68, %get3A_69] {strides = array<i32>} : memref<640x64xf32, #tpu.memory_space<vmem>>, vector<1x16xf32>,
        %get3A_71 = vector.shape_cast %get3A_70 : vector<1x16xf32> to vector<16xf32>
        %get3A_72 = arith.index_cast %mul3A_64 : i32 to index
        %get3A_73 = arith.constant 32 : index
        %get3A_74 = tpu.vector_load %arg7[%get3A_72, %get3A_73] {strides = array<i32>} : memref<640x64xf32, #tpu.memory_space<vmem>>, vector<1x16xf32>,
        %get3A_75 = vector.shape_cast %get3A_74 : vector<1x16xf32> to vector<16xf32>
        %get3A_76 = arith.index_cast %mul3A_64 : i32 to index
        %get3A_77 = arith.constant 48 : index
        %get3A_78 = tpu.vector_load %arg7[%get3A_76, %get3A_77] {strides = array<i32>} : memref<640x64xf32, #tpu.memory_space<vmem>>, vector<1x16xf32>,
        %get3A_79 = vector.shape_cast %get3A_78 : vector<1x16xf32> to vector<16xf32>
        %add3A_80 = arith.constant 1 : i32
        %add3A_81 = arith.addi %mul3A_64, %add3A_80 : i32
        %get3A_82 = arith.index_cast %add3A_81 : i32 to index
        %get3A_83 = arith.constant 0 : index
        %get3A_84 = tpu.vector_load %arg7[%get3A_82, %get3A_83] {strides = array<i32>} : memref<640x64xf32, #tpu.memory_space<vmem>>, vector<1x16xf32>,
        %get3A_85 = vector.shape_cast %get3A_84 : vector<1x16xf32> to vector<16xf32>
        %add3A_86 = arith.addf %get3A_67, %get3A_85 : vector<16xf32>
        %add3A_87 = arith.constant 1 : i32
        %add3A_88 = arith.addi %mul3A_64, %add3A_87 : i32
        %get3A_89 = arith.index_cast %add3A_88 : i32 to index
        %get3A_90 = arith.constant 16 : index
        %get3A_91 = tpu.vector_load %arg7[%get3A_89, %get3A_90] {strides = array<i32>} : memref<640x64xf32, #tpu.memory_space<vmem>>, vector<1x16xf32>,
        %get3A_92 = vector.shape_cast %get3A_91 : vector<1x16xf32> to vector<16xf32>
        %add3A_93 = arith.addf %get3A_71, %get3A_92 : vector<16xf32>
        %add3A_94 = arith.constant 1 : i32
        %add3A_95 = arith.addi %mul3A_64, %add3A_94 : i32
        %get3A_96 = arith.index_cast %add3A_95 : i32 to index
        %get3A_97 = arith.constant 32 : index
        %get3A_98 = tpu.vector_load %arg7[%get3A_96, %get3A_97] {strides = array<i32>} : memref<640x64xf32, #tpu.memory_space<vmem>>, vector<1x16xf32>,
        %get3A_99 = vector.shape_cast %get3A_98 : vector<1x16xf32> to vector<16xf32>
        %add3A_100 = arith.addf %get3A_75, %get3A_99 : vector<16xf32>
        %add3A_101 = arith.constant 1 : i32
        %add3A_102 = arith.addi %mul3A_64, %add3A_101 : i32
        %get3A_103 = arith.index_cast %add3A_102 : i32 to index
        %get3A_104 = arith.constant 48 : index
        %get3A_105 = tpu.vector_load %arg7[%get3A_103, %get3A_104] {strides = array<i32>} : memref<640x64xf32, #tpu.memory_space<vmem>>, vector<1x16xf32>,
        %get3A_106 = vector.shape_cast %get3A_105 : vector<1x16xf32> to vector<16xf32>
        %add3A_107 = arith.addf %get3A_79, %get3A_106 : vector<16xf32>
        %add3A_108 = arith.constant 2 : i32
        %add3A_109 = arith.addi %mul3A_64, %add3A_108 : i32
        %get3A_110 = arith.index_cast %add3A_109 : i32 to index
        %get3A_111 = arith.constant 0 : index
        %get3A_112 = tpu.vector_load %arg7[%get3A_110, %get3A_111] {strides = array<i32>} : memref<640x64xf32, #tpu.memory_space<vmem>>, vector<1x16xf32>,
        %get3A_113 = vector.shape_cast %get3A_112 : vector<1x16xf32> to vector<16xf32>
        %add3A_114 = arith.addf %add3A_86, %get3A_113 : vector<16xf32>
        %add3A_115 = arith.constant 2 : i32
        %add3A_116 = arith.addi %mul3A_64, %add3A_115 : i32
        %get3A_117 = arith.index_cast %add3A_116 : i32 to index
        %get3A_118 = arith.constant 16 : index
        %get3A_119 = tpu.vector_load %arg7[%get3A_117, %get3A_118] {strides = array<i32>} : memref<640x64xf32, #tpu.memory_space<vmem>>, vector<1x16xf32>,
        %get3A_120 = vector.shape_cast %get3A_119 : vector<1x16xf32> to vector<16xf32>
        %add3A_121 = arith.addf %add3A_93, %get3A_120 : vector<16xf32>
        %add3A_122 = arith.constant 2 : i32
        %add3A_123 = arith.addi %mul3A_64, %add3A_122 : i32
        %get3A_124 = arith.index_cast %add3A_123 : i32 to index
        %get3A_125 = arith.constant 32 : index
        %get3A_126 = tpu.vector_load %arg7[%get3A_124, %get3A_125] {strides = array<i32>} : memref<640x64xf32, #tpu.memory_space<vmem>>, vector<1x16xf32>,
        %get3A_127 = vector.shape_cast %get3A_126 : vector<1x16xf32> to vector<16xf32>
        %add3A_128 = arith.addf %add3A_100, %get3A_127 : vector<16xf32>
        %add3A_129 = arith.constant 2 : i32
        %add3A_130 = arith.addi %mul3A_64, %add3A_129 : i32
        %get3A_131 = arith.index_cast %add3A_130 : i32 to index
        %get3A_132 = arith.constant 48 : index
        %get3A_133 = tpu.vector_load %arg7[%get3A_131, %get3A_132] {strides = array<i32>} : memref<640x64xf32, #tpu.memory_space<vmem>>, vector<1x16xf32>,
        %get3A_134 = vector.shape_cast %get3A_133 : vector<1x16xf32> to vector<16xf32>
        %add3A_135 = arith.addf %add3A_107, %get3A_134 : vector<16xf32>
        %add3A_136 = arith.constant 3 : i32
        %add3A_137 = arith.addi %mul3A_64, %add3A_136 : i32
        %get3A_138 = arith.index_cast %add3A_137 : i32 to index
        %get3A_139 = arith.constant 0 : index
        %get3A_140 = tpu.vector_load %arg7[%get3A_138, %get3A_139] {strides = array<i32>} : memref<640x64xf32, #tpu.memory_space<vmem>>, vector<1x16xf32>,
        %get3A_141 = vector.shape_cast %get3A_140 : vector<1x16xf32> to vector<16xf32>
        %add3A_142 = arith.addf %add3A_114, %get3A_141 : vector<16xf32>
        %add3A_143 = arith.constant 3 : i32
        %add3A_144 = arith.addi %mul3A_64, %add3A_143 : i32
        %get3A_145 = arith.index_cast %add3A_144 : i32 to index
        %get3A_146 = arith.constant 16 : index
        %get3A_147 = tpu.vector_load %arg7[%get3A_145, %get3A_146] {strides = array<i32>} : memref<640x64xf32, #tpu.memory_space<vmem>>, vector<1x16xf32>,
        %get3A_148 = vector.shape_cast %get3A_147 : vector<1x16xf32> to vector<16xf32>
        %add3A_149 = arith.addf %add3A_121, %get3A_148 : vector<16xf32>
        %add3A_150 = arith.constant 3 : i32
        %add3A_151 = arith.addi %mul3A_64, %add3A_150 : i32
        %get3A_152 = arith.index_cast %add3A_151 : i32 to index
        %get3A_153 = arith.constant 32 : index
        %get3A_154 = tpu.vector_load %arg7[%get3A_152, %get3A_153] {strides = array<i32>} : memref<640x64xf32, #tpu.memory_space<vmem>>, vector<1x16xf32>,
        %get3A_155 = vector.shape_cast %get3A_154 : vector<1x16xf32> to vector<16xf32>
        %add3A_156 = arith.addf %add3A_128, %get3A_155 : vector<16xf32>
        %add3A_157 = arith.constant 3 : i32
        %add3A_158 = arith.addi %mul3A_64, %add3A_157 : i32
        %get3A_159 = arith.index_cast %add3A_158 : i32 to index
        %get3A_160 = arith.constant 48 : index
        %get3A_161 = tpu.vector_load %arg7[%get3A_159, %get3A_160] {strides = array<i32>} : memref<640x64xf32, #tpu.memory_space<vmem>>, vector<1x16xf32>,
        %get3A_162 = vector.shape_cast %get3A_161 : vector<1x16xf32> to vector<16xf32>
        %add3A_163 = arith.addf %add3A_135, %get3A_162 : vector<16xf32>
        %add3A_164 = arith.constant 4 : i32
        %add3A_165 = arith.addi %mul3A_64, %add3A_164 : i32
        %get3A_166 = arith.index_cast %add3A_165 : i32 to index
        %get3A_167 = arith.constant 0 : index
        %get3A_168 = tpu.vector_load %arg7[%get3A_166, %get3A_167] {strides = array<i32>} : memref<640x64xf32, #tpu.memory_space<vmem>>, vector<1x16xf32>,
        %get3A_169 = vector.shape_cast %get3A_168 : vector<1x16xf32> to vector<16xf32>
        %add3A_170 = arith.addf %add3A_142, %get3A_169 : vector<16xf32>
        %add3A_171 = arith.constant 4 : i32
        %add3A_172 = arith.addi %mul3A_64, %add3A_171 : i32
        %get3A_173 = arith.index_cast %add3A_172 : i32 to index
        %get3A_174 = arith.constant 16 : index
        %get3A_175 = tpu.vector_load %arg7[%get3A_173, %get3A_174] {strides = array<i32>} : memref<640x64xf32, #tpu.memory_space<vmem>>, vector<1x16xf32>,
        %get3A_176 = vector.shape_cast %get3A_175 : vector<1x16xf32> to vector<16xf32>
        %add3A_177 = arith.addf %add3A_149, %get3A_176 : vector<16xf32>
        %add3A_178 = arith.constant 4 : i32
        %add3A_179 = arith.addi %mul3A_64, %add3A_178 : i32
        %get3A_180 = arith.index_cast %add3A_179 : i32 to index
        %get3A_181 = arith.constant 32 : index
        %get3A_182 = tpu.vector_load %arg7[%get3A_180, %get3A_181] {strides = array<i32>} : memref<640x64xf32, #tpu.memory_space<vmem>>, vector<1x16xf32>,
        %get3A_183 = vector.shape_cast %get3A_182 : vector<1x16xf32> to vector<16xf32>
        %add3A_184 = arith.addf %add3A_156, %get3A_183 : vector<16xf32>
        %add3A_185 = arith.constant 4 : i32
        %add3A_186 = arith.addi %mul3A_64, %add3A_185 : i32
        %get3A_187 = arith.index_cast %add3A_186 : i32 to index
        %get3A_188 = arith.constant 48 : index
        %get3A_189 = tpu.vector_load %arg7[%get3A_187, %get3A_188] {strides = array<i32>} : memref<640x64xf32, #tpu.memory_space<vmem>>, vector<1x16xf32>,
        %get3A_190 = vector.shape_cast %get3A_189 : vector<1x16xf32> to vector<16xf32>
        %add3A_191 = arith.addf %add3A_163, %get3A_190 : vector<16xf32>
        %add3A_192 = arith.constant 5 : i32
        %add3A_193 = arith.addi %mul3A_64, %add3A_192 : i32
        %get3A_194 = arith.index_cast %add3A_193 : i32 to index
        %get3A_195 = arith.constant 0 : index
        %get3A_196 = tpu.vector_load %arg7[%get3A_194, %get3A_195] {strides = array<i32>} : memref<640x64xf32, #tpu.memory_space<vmem>>, vector<1x16xf32>,
        %get3A_197 = vector.shape_cast %get3A_196 : vector<1x16xf32> to vector<16xf32>
        %add3A_198 = arith.addf %add3A_170, %get3A_197 : vector<16xf32>
        %add3A_199 = arith.constant 5 : i32
        %add3A_200 = arith.addi %mul3A_64, %add3A_199 : i32
        %get3A_201 = arith.index_cast %add3A_200 : i32 to index
        %get3A_202 = arith.constant 16 : index
        %get3A_203 = tpu.vector_load %arg7[%get3A_201, %get3A_202] {strides = array<i32>} : memref<640x64xf32, #tpu.memory_space<vmem>>, vector<1x16xf32>,
        %get3A_204 = vector.shape_cast %get3A_203 : vector<1x16xf32> to vector<16xf32>
        %add3A_205 = arith.addf %add3A_177, %get3A_204 : vector<16xf32>
        %add3A_206 = arith.constant 5 : i32
        %add3A_207 = arith.addi %mul3A_64, %add3A_206 : i32
        %get3A_208 = arith.index_cast %add3A_207 : i32 to index
        %get3A_209 = arith.constant 32 : index
        %get3A_210 = tpu.vector_load %arg7[%get3A_208, %get3A_209] {strides = array<i32>} : memref<640x64xf32, #tpu.memory_space<vmem>>, vector<1x16xf32>,
        %get3A_211 = vector.shape_cast %get3A_210 : vector<1x16xf32> to vector<16xf32>
        %add3A_212 = arith.addf %add3A_184, %get3A_211 : vector<16xf32>
        %add3A_213 = arith.constant 5 : i32
        %add3A_214 = arith.addi %mul3A_64, %add3A_213 : i32
        %get3A_215 = arith.index_cast %add3A_214 : i32 to index
        %get3A_216 = arith.constant 48 : index
        %get3A_217 = tpu.vector_load %arg7[%get3A_215, %get3A_216] {strides = array<i32>} : memref<640x64xf32, #tpu.memory_space<vmem>>, vector<1x16xf32>,
        %get3A_218 = vector.shape_cast %get3A_217 : vector<1x16xf32> to vector<16xf32>
        %add3A_219 = arith.addf %add3A_191, %get3A_218 : vector<16xf32>
        %add3A_220 = arith.constant 6 : i32
        %add3A_221 = arith.addi %mul3A_64, %add3A_220 : i32
        %get3A_222 = arith.index_cast %add3A_221 : i32 to index
        %get3A_223 = arith.constant 0 : index
        %get3A_224 = tpu.vector_load %arg7[%get3A_222, %get3A_223] {strides = array<i32>} : memref<640x64xf32, #tpu.memory_space<vmem>>, vector<1x16xf32>,
        %get3A_225 = vector.shape_cast %get3A_224 : vector<1x16xf32> to vector<16xf32>
        %add3A_226 = arith.addf %add3A_198, %get3A_225 : vector<16xf32>
        %add3A_227 = arith.constant 6 : i32
        %add3A_228 = arith.addi %mul3A_64, %add3A_227 : i32
        %get3A_229 = arith.index_cast %add3A_228 : i32 to index
        %get3A_230 = arith.constant 16 : index
        %get3A_231 = tpu.vector_load %arg7[%get3A_229, %get3A_230] {strides = array<i32>} : memref<640x64xf32, #tpu.memory_space<vmem>>, vector<1x16xf32>,
        %get3A_232 = vector.shape_cast %get3A_231 : vector<1x16xf32> to vector<16xf32>
        %add3A_233 = arith.addf %add3A_205, %get3A_232 : vector<16xf32>
        %add3A_234 = arith.constant 6 : i32
        %add3A_235 = arith.addi %mul3A_64, %add3A_234 : i32
        %get3A_236 = arith.index_cast %add3A_235 : i32 to index
        %get3A_237 = arith.constant 32 : index
        %get3A_238 = tpu.vector_load %arg7[%get3A_236, %get3A_237] {strides = array<i32>} : memref<640x64xf32, #tpu.memory_space<vmem>>, vector<1x16xf32>,
        %get3A_239 = vector.shape_cast %get3A_238 : vector<1x16xf32> to vector<16xf32>
        %add3A_240 = arith.addf %add3A_212, %get3A_239 : vector<16xf32>
        %add3A_241 = arith.constant 6 : i32
        %add3A_242 = arith.addi %mul3A_64, %add3A_241 : i32
        %get3A_243 = arith.index_cast %add3A_242 : i32 to index
        %get3A_244 = arith.constant 48 : index
        %get3A_245 = tpu.vector_load %arg7[%get3A_243, %get3A_244] {strides = array<i32>} : memref<640x64xf32, #tpu.memory_space<vmem>>, vector<1x16xf32>,
        %get3A_246 = vector.shape_cast %get3A_245 : vector<1x16xf32> to vector<16xf32>
        %add3A_247 = arith.addf %add3A_219, %get3A_246 : vector<16xf32>
        %add3A_248 = arith.constant 7 : i32
        %add3A_249 = arith.addi %mul3A_64, %add3A_248 : i32
        %get3A_250 = arith.index_cast %add3A_249 : i32 to index
        %get3A_251 = arith.constant 0 : index
        %get3A_252 = tpu.vector_load %arg7[%get3A_250, %get3A_251] {strides = array<i32>} : memref<640x64xf32, #tpu.memory_space<vmem>>, vector<1x16xf32>,
        %get3A_253 = vector.shape_cast %get3A_252 : vector<1x16xf32> to vector<16xf32>
        %add3A_254 = arith.addf %add3A_226, %get3A_253 : vector<16xf32>
        %add3A_255 = arith.constant 7 : i32
        %add3A_256 = arith.addi %mul3A_64, %add3A_255 : i32
        %get3A_257 = arith.index_cast %add3A_256 : i32 to index
        %get3A_258 = arith.constant 16 : index
        %get3A_259 = tpu.vector_load %arg7[%get3A_257, %get3A_258] {strides = array<i32>} : memref<640x64xf32, #tpu.memory_space<vmem>>, vector<1x16xf32>,
        %get3A_260 = vector.shape_cast %get3A_259 : vector<1x16xf32> to vector<16xf32>
        %add3A_261 = arith.addf %add3A_233, %get3A_260 : vector<16xf32>
        %add3A_262 = arith.constant 7 : i32
        %add3A_263 = arith.addi %mul3A_64, %add3A_262 : i32
        %get3A_264 = arith.index_cast %add3A_263 : i32 to index
        %get3A_265 = arith.constant 32 : index
        %get3A_266 = tpu.vector_load %arg7[%get3A_264, %get3A_265] {strides = array<i32>} : memref<640x64xf32, #tpu.memory_space<vmem>>, vector<1x16xf32>,
        %get3A_267 = vector.shape_cast %get3A_266 : vector<1x16xf32> to vector<16xf32>
        %add3A_268 = arith.addf %add3A_240, %get3A_267 : vector<16xf32>
        %add3A_269 = arith.constant 7 : i32
        %add3A_270 = arith.addi %mul3A_64, %add3A_269 : i32
        %get3A_271 = arith.index_cast %add3A_270 : i32 to index
        %get3A_272 = arith.constant 48 : index
        %get3A_273 = tpu.vector_load %arg7[%get3A_271, %get3A_272] {strides = array<i32>} : memref<640x64xf32, #tpu.memory_space<vmem>>, vector<1x16xf32>,
        %get3A_274 = vector.shape_cast %get3A_273 : vector<1x16xf32> to vector<16xf32>
        %add3A_275 = arith.addf %add3A_247, %get3A_274 : vector<16xf32>
        %add3A_276 = arith.constant 8 : i32
        %add3A_277 = arith.addi %mul3A_64, %add3A_276 : i32
        %get3A_278 = arith.index_cast %add3A_277 : i32 to index
        %get3A_279 = arith.constant 0 : index
        %get3A_280 = tpu.vector_load %arg7[%get3A_278, %get3A_279] {strides = array<i32>} : memref<640x64xf32, #tpu.memory_space<vmem>>, vector<1x16xf32>,
        %get3A_281 = vector.shape_cast %get3A_280 : vector<1x16xf32> to vector<16xf32>
        %add3A_282 = arith.addf %add3A_254, %get3A_281 : vector<16xf32>
        %add3A_283 = arith.constant 8 : i32
        %add3A_284 = arith.addi %mul3A_64, %add3A_283 : i32
        %get3A_285 = arith.index_cast %add3A_284 : i32 to index
        %get3A_286 = arith.constant 16 : index
        %get3A_287 = tpu.vector_load %arg7[%get3A_285, %get3A_286] {strides = array<i32>} : memref<640x64xf32, #tpu.memory_space<vmem>>, vector<1x16xf32>,
        %get3A_288 = vector.shape_cast %get3A_287 : vector<1x16xf32> to vector<16xf32>
        %add3A_289 = arith.addf %add3A_261, %get3A_288 : vector<16xf32>
        %add3A_290 = arith.constant 8 : i32
        %add3A_291 = arith.addi %mul3A_64, %add3A_290 : i32
        %get3A_292 = arith.index_cast %add3A_291 : i32 to index
        %get3A_293 = arith.constant 32 : index
        %get3A_294 = tpu.vector_load %arg7[%get3A_292, %get3A_293] {strides = array<i32>} : memref<640x64xf32, #tpu.memory_space<vmem>>, vector<1x16xf32>,
        %get3A_295 = vector.shape_cast %get3A_294 : vector<1x16xf32> to vector<16xf32>
        %add3A_296 = arith.addf %add3A_268, %get3A_295 : vector<16xf32>
        %add3A_297 = arith.constant 8 : i32
        %add3A_298 = arith.addi %mul3A_64, %add3A_297 : i32
        %get3A_299 = arith.index_cast %add3A_298 : i32 to index
        %get3A_300 = arith.constant 48 : index
        %get3A_301 = tpu.vector_load %arg7[%get3A_299, %get3A_300] {strides = array<i32>} : memref<640x64xf32, #tpu.memory_space<vmem>>, vector<1x16xf32>,
        %get3A_302 = vector.shape_cast %get3A_301 : vector<1x16xf32> to vector<16xf32>
        %add3A_303 = arith.addf %add3A_275, %get3A_302 : vector<16xf32>
        %add3A_304 = arith.constant 9 : i32
        %add3A_305 = arith.addi %mul3A_64, %add3A_304 : i32
        %get3A_306 = arith.index_cast %add3A_305 : i32 to index
        %get3A_307 = arith.constant 0 : index
        %get3A_308 = tpu.vector_load %arg7[%get3A_306, %get3A_307] {strides = array<i32>} : memref<640x64xf32, #tpu.memory_space<vmem>>, vector<1x16xf32>,
        %get3A_309 = vector.shape_cast %get3A_308 : vector<1x16xf32> to vector<16xf32>
        %add3A_310 = arith.addf %add3A_282, %get3A_309 : vector<16xf32>
        %add3A_311 = arith.constant 9 : i32
        %add3A_312 = arith.addi %mul3A_64, %add3A_311 : i32
        %get3A_313 = arith.index_cast %add3A_312 : i32 to index
        %get3A_314 = arith.constant 16 : index
        %get3A_315 = tpu.vector_load %arg7[%get3A_313, %get3A_314] {strides = array<i32>} : memref<640x64xf32, #tpu.memory_space<vmem>>, vector<1x16xf32>,
        %get3A_316 = vector.shape_cast %get3A_315 : vector<1x16xf32> to vector<16xf32>
        %add3A_317 = arith.addf %add3A_289, %get3A_316 : vector<16xf32>
        %add3A_318 = arith.constant 9 : i32
        %add3A_319 = arith.addi %mul3A_64, %add3A_318 : i32
        %get3A_320 = arith.index_cast %add3A_319 : i32 to index
        %get3A_321 = arith.constant 32 : index
        %get3A_322 = tpu.vector_load %arg7[%get3A_320, %get3A_321] {strides = array<i32>} : memref<640x64xf32, #tpu.memory_space<vmem>>, vector<1x16xf32>,
        %get3A_323 = vector.shape_cast %get3A_322 : vector<1x16xf32> to vector<16xf32>
        %add3A_324 = arith.addf %add3A_296, %get3A_323 : vector<16xf32>
        %add3A_325 = arith.constant 9 : i32
        %add3A_326 = arith.addi %mul3A_64, %add3A_325 : i32
        %get3A_327 = arith.index_cast %add3A_326 : i32 to index
        %get3A_328 = arith.constant 48 : index
        %get3A_329 = tpu.vector_load %arg7[%get3A_327, %get3A_328] {strides = array<i32>} : memref<640x64xf32, #tpu.memory_space<vmem>>, vector<1x16xf32>,
        %get3A_330 = vector.shape_cast %get3A_329 : vector<1x16xf32> to vector<16xf32>
        %add3A_331 = arith.addf %add3A_303, %get3A_330 : vector<16xf32>
        %add3A_332 = arith.constant 10 : i32
        %add3A_333 = arith.addi %mul3A_64, %add3A_332 : i32
        %get3A_334 = arith.index_cast %add3A_333 : i32 to index
        %get3A_335 = arith.constant 0 : index
        %get3A_336 = tpu.vector_load %arg7[%get3A_334, %get3A_335] {strides = array<i32>} : memref<640x64xf32, #tpu.memory_space<vmem>>, vector<1x16xf32>,
        %get3A_337 = vector.shape_cast %get3A_336 : vector<1x16xf32> to vector<16xf32>
        %add3A_338 = arith.addf %add3A_310, %get3A_337 : vector<16xf32>
        %add3A_339 = arith.constant 10 : i32
        %add3A_340 = arith.addi %mul3A_64, %add3A_339 : i32
        %get3A_341 = arith.index_cast %add3A_340 : i32 to index
        %get3A_342 = arith.constant 16 : index
        %get3A_343 = tpu.vector_load %arg7[%get3A_341, %get3A_342] {strides = array<i32>} : memref<640x64xf32, #tpu.memory_space<vmem>>, vector<1x16xf32>,
        %get3A_344 = vector.shape_cast %get3A_343 : vector<1x16xf32> to vector<16xf32>
        %add3A_345 = arith.addf %add3A_317, %get3A_344 : vector<16xf32>
        %add3A_346 = arith.constant 10 : i32
        %add3A_347 = arith.addi %mul3A_64, %add3A_346 : i32
        %get3A_348 = arith.index_cast %add3A_347 : i32 to index
        %get3A_349 = arith.constant 32 : index
        %get3A_350 = tpu.vector_load %arg7[%get3A_348, %get3A_349] {strides = array<i32>} : memref<640x64xf32, #tpu.memory_space<vmem>>, vector<1x16xf32>,
        %get3A_351 = vector.shape_cast %get3A_350 : vector<1x16xf32> to vector<16xf32>
        %add3A_352 = arith.addf %add3A_324, %get3A_351 : vector<16xf32>
        %add3A_353 = arith.constant 10 : i32
        %add3A_354 = arith.addi %mul3A_64, %add3A_353 : i32
        %get3A_355 = arith.index_cast %add3A_354 : i32 to index
        %get3A_356 = arith.constant 48 : index
        %get3A_357 = tpu.vector_load %arg7[%get3A_355, %get3A_356] {strides = array<i32>} : memref<640x64xf32, #tpu.memory_space<vmem>>, vector<1x16xf32>,
        %get3A_358 = vector.shape_cast %get3A_357 : vector<1x16xf32> to vector<16xf32>
        %add3A_359 = arith.addf %add3A_331, %get3A_358 : vector<16xf32>
        %add3A_360 = arith.constant 11 : i32
        %add3A_361 = arith.addi %mul3A_64, %add3A_360 : i32
        %get3A_362 = arith.index_cast %add3A_361 : i32 to index
        %get3A_363 = arith.constant 0 : index
        %get3A_364 = tpu.vector_load %arg7[%get3A_362, %get3A_363] {strides = array<i32>} : memref<640x64xf32, #tpu.memory_space<vmem>>, vector<1x16xf32>,
        %get3A_365 = vector.shape_cast %get3A_364 : vector<1x16xf32> to vector<16xf32>
        %add3A_366 = arith.addf %add3A_338, %get3A_365 : vector<16xf32>
        %add3A_367 = arith.constant 11 : i32
        %add3A_368 = arith.addi %mul3A_64, %add3A_367 : i32
        %get3A_369 = arith.index_cast %add3A_368 : i32 to index
        %get3A_370 = arith.constant 16 : index
        %get3A_371 = tpu.vector_load %arg7[%get3A_369, %get3A_370] {strides = array<i32>} : memref<640x64xf32, #tpu.memory_space<vmem>>, vector<1x16xf32>,
        %get3A_372 = vector.shape_cast %get3A_371 : vector<1x16xf32> to vector<16xf32>
        %add3A_373 = arith.addf %add3A_345, %get3A_372 : vector<16xf32>
        %add3A_374 = arith.constant 11 : i32
        %add3A_375 = arith.addi %mul3A_64, %add3A_374 : i32
        %get3A_376 = arith.index_cast %add3A_375 : i32 to index
        %get3A_377 = arith.constant 32 : index
        %get3A_378 = tpu.vector_load %arg7[%get3A_376, %get3A_377] {strides = array<i32>} : memref<640x64xf32, #tpu.memory_space<vmem>>, vector<1x16xf32>,
        %get3A_379 = vector.shape_cast %get3A_378 : vector<1x16xf32> to vector<16xf32>
        %add3A_380 = arith.addf %add3A_352, %get3A_379 : vector<16xf32>
        %add3A_381 = arith.constant 11 : i32
        %add3A_382 = arith.addi %mul3A_64, %add3A_381 : i32
        %get3A_383 = arith.index_cast %add3A_382 : i32 to index
        %get3A_384 = arith.constant 48 : index
        %get3A_385 = tpu.vector_load %arg7[%get3A_383, %get3A_384] {strides = array<i32>} : memref<640x64xf32, #tpu.memory_space<vmem>>, vector<1x16xf32>,
        %get3A_386 = vector.shape_cast %get3A_385 : vector<1x16xf32> to vector<16xf32>
        %add3A_387 = arith.addf %add3A_359, %get3A_386 : vector<16xf32>
        %add3A_388 = arith.constant 12 : i32
        %add3A_389 = arith.addi %mul3A_64, %add3A_388 : i32
        %get3A_390 = arith.index_cast %add3A_389 : i32 to index
        %get3A_391 = arith.constant 0 : index
        %get3A_392 = tpu.vector_load %arg7[%get3A_390, %get3A_391] {strides = array<i32>} : memref<640x64xf32, #tpu.memory_space<vmem>>, vector<1x16xf32>,
        %get3A_393 = vector.shape_cast %get3A_392 : vector<1x16xf32> to vector<16xf32>
        %add3A_394 = arith.addf %add3A_366, %get3A_393 : vector<16xf32>
        %add3A_395 = arith.constant 12 : i32
        %add3A_396 = arith.addi %mul3A_64, %add3A_395 : i32
        %get3A_397 = arith.index_cast %add3A_396 : i32 to index
        %get3A_398 = arith.constant 16 : index
        %get3A_399 = tpu.vector_load %arg7[%get3A_397, %get3A_398] {strides = array<i32>} : memref<640x64xf32, #tpu.memory_space<vmem>>, vector<1x16xf32>,
        %get3A_400 = vector.shape_cast %get3A_399 : vector<1x16xf32> to vector<16xf32>
        %add3A_401 = arith.addf %add3A_373, %get3A_400 : vector<16xf32>
        %add3A_402 = arith.constant 12 : i32
        %add3A_403 = arith.addi %mul3A_64, %add3A_402 : i32
        %get3A_404 = arith.index_cast %add3A_403 : i32 to index
        %get3A_405 = arith.constant 32 : index
        %get3A_406 = tpu.vector_load %arg7[%get3A_404, %get3A_405] {strides = array<i32>} : memref<640x64xf32, #tpu.memory_space<vmem>>, vector<1x16xf32>,
        %get3A_407 = vector.shape_cast %get3A_406 : vector<1x16xf32> to vector<16xf32>
        %add3A_408 = arith.addf %add3A_380, %get3A_407 : vector<16xf32>
        %add3A_409 = arith.constant 12 : i32
        %add3A_410 = arith.addi %mul3A_64, %add3A_409 : i32
        %get3A_411 = arith.index_cast %add3A_410 : i32 to index
        %get3A_412 = arith.constant 48 : index
        %get3A_413 = tpu.vector_load %arg7[%get3A_411, %get3A_412] {strides = array<i32>} : memref<640x64xf32, #tpu.memory_space<vmem>>, vector<1x16xf32>,
        %get3A_414 = vector.shape_cast %get3A_413 : vector<1x16xf32> to vector<16xf32>
        %add3A_415 = arith.addf %add3A_387, %get3A_414 : vector<16xf32>
        %add3A_416 = arith.constant 13 : i32
        %add3A_417 = arith.addi %mul3A_64, %add3A_416 : i32
        %get3A_418 = arith.index_cast %add3A_417 : i32 to index
        %get3A_419 = arith.constant 0 : index
        %get3A_420 = tpu.vector_load %arg7[%get3A_418, %get3A_419] {strides = array<i32>} : memref<640x64xf32, #tpu.memory_space<vmem>>, vector<1x16xf32>,
        %get3A_421 = vector.shape_cast %get3A_420 : vector<1x16xf32> to vector<16xf32>
        %add3A_422 = arith.addf %add3A_394, %get3A_421 : vector<16xf32>
        %add3A_423 = arith.constant 13 : i32
        %add3A_424 = arith.addi %mul3A_64, %add3A_423 : i32
        %get3A_425 = arith.index_cast %add3A_424 : i32 to index
        %get3A_426 = arith.constant 16 : index
        %get3A_427 = tpu.vector_load %arg7[%get3A_425, %get3A_426] {strides = array<i32>} : memref<640x64xf32, #tpu.memory_space<vmem>>, vector<1x16xf32>,
        %get3A_428 = vector.shape_cast %get3A_427 : vector<1x16xf32> to vector<16xf32>
        %add3A_429 = arith.addf %add3A_401, %get3A_428 : vector<16xf32>
        %add3A_430 = arith.constant 13 : i32
        %add3A_431 = arith.addi %mul3A_64, %add3A_430 : i32
        %get3A_432 = arith.index_cast %add3A_431 : i32 to index
        %get3A_433 = arith.constant 32 : index
        %get3A_434 = tpu.vector_load %arg7[%get3A_432, %get3A_433] {strides = array<i32>} : memref<640x64xf32, #tpu.memory_space<vmem>>, vector<1x16xf32>,
        %get3A_435 = vector.shape_cast %get3A_434 : vector<1x16xf32> to vector<16xf32>
        %add3A_436 = arith.addf %add3A_408, %get3A_435 : vector<16xf32>
        %add3A_437 = arith.constant 13 : i32
        %add3A_438 = arith.addi %mul3A_64, %add3A_437 : i32
        %get3A_439 = arith.index_cast %add3A_438 : i32 to index
        %get3A_440 = arith.constant 48 : index
        %get3A_441 = tpu.vector_load %arg7[%get3A_439, %get3A_440] {strides = array<i32>} : memref<640x64xf32, #tpu.memory_space<vmem>>, vector<1x16xf32>,
        %get3A_442 = vector.shape_cast %get3A_441 : vector<1x16xf32> to vector<16xf32>
        %add3A_443 = arith.addf %add3A_415, %get3A_442 : vector<16xf32>
        %add3A_444 = arith.constant 14 : i32
        %add3A_445 = arith.addi %mul3A_64, %add3A_444 : i32
        %get3A_446 = arith.index_cast %add3A_445 : i32 to index
        %get3A_447 = arith.constant 0 : index
        %get3A_448 = tpu.vector_load %arg7[%get3A_446, %get3A_447] {strides = array<i32>} : memref<640x64xf32, #tpu.memory_space<vmem>>, vector<1x16xf32>,
        %get3A_449 = vector.shape_cast %get3A_448 : vector<1x16xf32> to vector<16xf32>
        %add3A_450 = arith.addf %add3A_422, %get3A_449 : vector<16xf32>
        %add3A_451 = arith.constant 14 : i32
        %add3A_452 = arith.addi %mul3A_64, %add3A_451 : i32
        %get3A_453 = arith.index_cast %add3A_452 : i32 to index
        %get3A_454 = arith.constant 16 : index
        %get3A_455 = tpu.vector_load %arg7[%get3A_453, %get3A_454] {strides = array<i32>} : memref<640x64xf32, #tpu.memory_space<vmem>>, vector<1x16xf32>,
        %get3A_456 = vector.shape_cast %get3A_455 : vector<1x16xf32> to vector<16xf32>
        %add3A_457 = arith.addf %add3A_429, %get3A_456 : vector<16xf32>
        %add3A_458 = arith.constant 14 : i32
        %add3A_459 = arith.addi %mul3A_64, %add3A_458 : i32
        %get3A_460 = arith.index_cast %add3A_459 : i32 to index
        %get3A_461 = arith.constant 32 : index
        %get3A_462 = tpu.vector_load %arg7[%get3A_460, %get3A_461] {strides = array<i32>} : memref<640x64xf32, #tpu.memory_space<vmem>>, vector<1x16xf32>,
        %get3A_463 = vector.shape_cast %get3A_462 : vector<1x16xf32> to vector<16xf32>
        %add3A_464 = arith.addf %add3A_436, %get3A_463 : vector<16xf32>
        %add3A_465 = arith.constant 14 : i32
        %add3A_466 = arith.addi %mul3A_64, %add3A_465 : i32
        %get3A_467 = arith.index_cast %add3A_466 : i32 to index
        %get3A_468 = arith.constant 48 : index
        %get3A_469 = tpu.vector_load %arg7[%get3A_467, %get3A_468] {strides = array<i32>} : memref<640x64xf32, #tpu.memory_space<vmem>>, vector<1x16xf32>,
        %get3A_470 = vector.shape_cast %get3A_469 : vector<1x16xf32> to vector<16xf32>
        %add3A_471 = arith.addf %add3A_443, %get3A_470 : vector<16xf32>
        %add3A_472 = arith.constant 15 : i32
        %add3A_473 = arith.addi %mul3A_64, %add3A_472 : i32
        %get3A_474 = arith.index_cast %add3A_473 : i32 to index
        %get3A_475 = arith.constant 0 : index
        %get3A_476 = tpu.vector_load %arg7[%get3A_474, %get3A_475] {strides = array<i32>} : memref<640x64xf32, #tpu.memory_space<vmem>>, vector<1x16xf32>,
        %get3A_477 = vector.shape_cast %get3A_476 : vector<1x16xf32> to vector<16xf32>
        %add3A_478 = arith.addf %add3A_450, %get3A_477 : vector<16xf32>
        %add3A_479 = arith.constant 15 : i32
        %add3A_480 = arith.addi %mul3A_64, %add3A_479 : i32
        %get3A_481 = arith.index_cast %add3A_480 : i32 to index
        %get3A_482 = arith.constant 16 : index
        %get3A_483 = tpu.vector_load %arg7[%get3A_481, %get3A_482] {strides = array<i32>} : memref<640x64xf32, #tpu.memory_space<vmem>>, vector<1x16xf32>,
        %get3A_484 = vector.shape_cast %get3A_483 : vector<1x16xf32> to vector<16xf32>
        %add3A_485 = arith.addf %add3A_457, %get3A_484 : vector<16xf32>
        %add3A_486 = arith.constant 15 : i32
        %add3A_487 = arith.addi %mul3A_64, %add3A_486 : i32
        %get3A_488 = arith.index_cast %add3A_487 : i32 to index
        %get3A_489 = arith.constant 32 : index
        %get3A_490 = tpu.vector_load %arg7[%get3A_488, %get3A_489] {strides = array<i32>} : memref<640x64xf32, #tpu.memory_space<vmem>>, vector<1x16xf32>,
        %get3A_491 = vector.shape_cast %get3A_490 : vector<1x16xf32> to vector<16xf32>
        %add3A_492 = arith.addf %add3A_464, %get3A_491 : vector<16xf32>
        %add3A_493 = arith.constant 15 : i32
        %add3A_494 = arith.addi %mul3A_64, %add3A_493 : i32
        %get3A_495 = arith.index_cast %add3A_494 : i32 to index
        %get3A_496 = arith.constant 48 : index
        %get3A_497 = tpu.vector_load %arg7[%get3A_495, %get3A_496] {strides = array<i32>} : memref<640x64xf32, #tpu.memory_space<vmem>>, vector<1x16xf32>,
        %get3A_498 = vector.shape_cast %get3A_497 : vector<1x16xf32> to vector<16xf32>
        %add3A_499 = arith.addf %add3A_471, %get3A_498 : vector<16xf32>
        %add3A_500 = arith.constant 16 : i32
        %add3A_501 = arith.addi %mul3A_64, %add3A_500 : i32
        %get3A_502 = arith.index_cast %add3A_501 : i32 to index
        %get3A_503 = arith.constant 0 : index
        %get3A_504 = tpu.vector_load %arg7[%get3A_502, %get3A_503] {strides = array<i32>} : memref<640x64xf32, #tpu.memory_space<vmem>>, vector<1x16xf32>,
        %get3A_505 = vector.shape_cast %get3A_504 : vector<1x16xf32> to vector<16xf32>
        %add3A_506 = arith.addf %add3A_478, %get3A_505 : vector<16xf32>
        %add3A_507 = arith.constant 16 : i32
        %add3A_508 = arith.addi %mul3A_64, %add3A_507 : i32
        %get3A_509 = arith.index_cast %add3A_508 : i32 to index
        %get3A_510 = arith.constant 16 : index
        %get3A_511 = tpu.vector_load %arg7[%get3A_509, %get3A_510] {strides = array<i32>} : memref<640x64xf32, #tpu.memory_space<vmem>>, vector<1x16xf32>,
        %get3A_512 = vector.shape_cast %get3A_511 : vector<1x16xf32> to vector<16xf32>
        %add3A_513 = arith.addf %add3A_485, %get3A_512 : vector<16xf32>
        %add3A_514 = arith.constant 16 : i32
        %add3A_515 = arith.addi %mul3A_64, %add3A_514 : i32
        %get3A_516 = arith.index_cast %add3A_515 : i32 to index
        %get3A_517 = arith.constant 32 : index
        %get3A_518 = tpu.vector_load %arg7[%get3A_516, %get3A_517] {strides = array<i32>} : memref<640x64xf32, #tpu.memory_space<vmem>>, vector<1x16xf32>,
        %get3A_519 = vector.shape_cast %get3A_518 : vector<1x16xf32> to vector<16xf32>
        %add3A_520 = arith.addf %add3A_492, %get3A_519 : vector<16xf32>
        %add3A_521 = arith.constant 16 : i32
        %add3A_522 = arith.addi %mul3A_64, %add3A_521 : i32
        %get3A_523 = arith.index_cast %add3A_522 : i32 to index
        %get3A_524 = arith.constant 48 : index
        %get3A_525 = tpu.vector_load %arg7[%get3A_523, %get3A_524] {strides = array<i32>} : memref<640x64xf32, #tpu.memory_space<vmem>>, vector<1x16xf32>,
        %get3A_526 = vector.shape_cast %get3A_525 : vector<1x16xf32> to vector<16xf32>
        %add3A_527 = arith.addf %add3A_499, %get3A_526 : vector<16xf32>
        %add3A_528 = arith.constant 17 : i32
        %add3A_529 = arith.addi %mul3A_64, %add3A_528 : i32
        %get3A_530 = arith.index_cast %add3A_529 : i32 to index
        %get3A_531 = arith.constant 0 : index
        %get3A_532 = tpu.vector_load %arg7[%get3A_530, %get3A_531] {strides = array<i32>} : memref<640x64xf32, #tpu.memory_space<vmem>>, vector<1x16xf32>,
        %get3A_533 = vector.shape_cast %get3A_532 : vector<1x16xf32> to vector<16xf32>
        %add3A_534 = arith.addf %add3A_506, %get3A_533 : vector<16xf32>
        %add3A_535 = arith.constant 17 : i32
        %add3A_536 = arith.addi %mul3A_64, %add3A_535 : i32
        %get3A_537 = arith.index_cast %add3A_536 : i32 to index
        %get3A_538 = arith.constant 16 : index
        %get3A_539 = tpu.vector_load %arg7[%get3A_537, %get3A_538] {strides = array<i32>} : memref<640x64xf32, #tpu.memory_space<vmem>>, vector<1x16xf32>,
        %get3A_540 = vector.shape_cast %get3A_539 : vector<1x16xf32> to vector<16xf32>
        %add3A_541 = arith.addf %add3A_513, %get3A_540 : vector<16xf32>
        %add3A_542 = arith.constant 17 : i32
        %add3A_543 = arith.addi %mul3A_64, %add3A_542 : i32
        %get3A_544 = arith.index_cast %add3A_543 : i32 to index
        %get3A_545 = arith.constant 32 : index
        %get3A_546 = tpu.vector_load %arg7[%get3A_544, %get3A_545] {strides = array<i32>} : memref<640x64xf32, #tpu.memory_space<vmem>>, vector<1x16xf32>,
        %get3A_547 = vector.shape_cast %get3A_546 : vector<1x16xf32> to vector<16xf32>
        %add3A_548 = arith.addf %add3A_520, %get3A_547 : vector<16xf32>
        %add3A_549 = arith.constant 17 : i32
        %add3A_550 = arith.addi %mul3A_64, %add3A_549 : i32
        %get3A_551 = arith.index_cast %add3A_550 : i32 to index
        %get3A_552 = arith.constant 48 : index
        %get3A_553 = tpu.vector_load %arg7[%get3A_551, %get3A_552] {strides = array<i32>} : memref<640x64xf32, #tpu.memory_space<vmem>>, vector<1x16xf32>,
        %get3A_554 = vector.shape_cast %get3A_553 : vector<1x16xf32> to vector<16xf32>
        %add3A_555 = arith.addf %add3A_527, %get3A_554 : vector<16xf32>
        %add3A_556 = arith.constant 18 : i32
        %add3A_557 = arith.addi %mul3A_64, %add3A_556 : i32
        %get3A_558 = arith.index_cast %add3A_557 : i32 to index
        %get3A_559 = arith.constant 0 : index
        %get3A_560 = tpu.vector_load %arg7[%get3A_558, %get3A_559] {strides = array<i32>} : memref<640x64xf32, #tpu.memory_space<vmem>>, vector<1x16xf32>,
        %get3A_561 = vector.shape_cast %get3A_560 : vector<1x16xf32> to vector<16xf32>
        %add3A_562 = arith.addf %add3A_534, %get3A_561 : vector<16xf32>
        %add3A_563 = arith.constant 18 : i32
        %add3A_564 = arith.addi %mul3A_64, %add3A_563 : i32
        %get3A_565 = arith.index_cast %add3A_564 : i32 to index
        %get3A_566 = arith.constant 16 : index
        %get3A_567 = tpu.vector_load %arg7[%get3A_565, %get3A_566] {strides = array<i32>} : memref<640x64xf32, #tpu.memory_space<vmem>>, vector<1x16xf32>,
        %get3A_568 = vector.shape_cast %get3A_567 : vector<1x16xf32> to vector<16xf32>
        %add3A_569 = arith.addf %add3A_541, %get3A_568 : vector<16xf32>
        %add3A_570 = arith.constant 18 : i32
        %add3A_571 = arith.addi %mul3A_64, %add3A_570 : i32
        %get3A_572 = arith.index_cast %add3A_571 : i32 to index
        %get3A_573 = arith.constant 32 : index
        %get3A_574 = tpu.vector_load %arg7[%get3A_572, %get3A_573] {strides = array<i32>} : memref<640x64xf32, #tpu.memory_space<vmem>>, vector<1x16xf32>,
        %get3A_575 = vector.shape_cast %get3A_574 : vector<1x16xf32> to vector<16xf32>
        %add3A_576 = arith.addf %add3A_548, %get3A_575 : vector<16xf32>
        %add3A_577 = arith.constant 18 : i32
        %add3A_578 = arith.addi %mul3A_64, %add3A_577 : i32
        %get3A_579 = arith.index_cast %add3A_578 : i32 to index
        %get3A_580 = arith.constant 48 : index
        %get3A_581 = tpu.vector_load %arg7[%get3A_579, %get3A_580] {strides = array<i32>} : memref<640x64xf32, #tpu.memory_space<vmem>>, vector<1x16xf32>,
        %get3A_582 = vector.shape_cast %get3A_581 : vector<1x16xf32> to vector<16xf32>
        %add3A_583 = arith.addf %add3A_555, %get3A_582 : vector<16xf32>
        %add3A_584 = arith.constant 19 : i32
        %add3A_585 = arith.addi %mul3A_64, %add3A_584 : i32
        %get3A_586 = arith.index_cast %add3A_585 : i32 to index
        %get3A_587 = arith.constant 0 : index
        %get3A_588 = tpu.vector_load %arg7[%get3A_586, %get3A_587] {strides = array<i32>} : memref<640x64xf32, #tpu.memory_space<vmem>>, vector<1x16xf32>,
        %get3A_589 = vector.shape_cast %get3A_588 : vector<1x16xf32> to vector<16xf32>
        %add3A_590 = arith.addf %add3A_562, %get3A_589 : vector<16xf32>
        %add3A_591 = arith.constant 19 : i32
        %add3A_592 = arith.addi %mul3A_64, %add3A_591 : i32
        %get3A_593 = arith.index_cast %add3A_592 : i32 to index
        %get3A_594 = arith.constant 16 : index
        %get3A_595 = tpu.vector_load %arg7[%get3A_593, %get3A_594] {strides = array<i32>} : memref<640x64xf32, #tpu.memory_space<vmem>>, vector<1x16xf32>,
        %get3A_596 = vector.shape_cast %get3A_595 : vector<1x16xf32> to vector<16xf32>
        %add3A_597 = arith.addf %add3A_569, %get3A_596 : vector<16xf32>
        %add3A_598 = arith.constant 19 : i32
        %add3A_599 = arith.addi %mul3A_64, %add3A_598 : i32
        %get3A_600 = arith.index_cast %add3A_599 : i32 to index
        %get3A_601 = arith.constant 32 : index
        %get3A_602 = tpu.vector_load %arg7[%get3A_600, %get3A_601] {strides = array<i32>} : memref<640x64xf32, #tpu.memory_space<vmem>>, vector<1x16xf32>,
        %get3A_603 = vector.shape_cast %get3A_602 : vector<1x16xf32> to vector<16xf32>
        %add3A_604 = arith.addf %add3A_576, %get3A_603 : vector<16xf32>
        %add3A_605 = arith.constant 19 : i32
        %add3A_606 = arith.addi %mul3A_64, %add3A_605 : i32
        %get3A_607 = arith.index_cast %add3A_606 : i32 to index
        %get3A_608 = arith.constant 48 : index
        %get3A_609 = tpu.vector_load %arg7[%get3A_607, %get3A_608] {strides = array<i32>} : memref<640x64xf32, #tpu.memory_space<vmem>>, vector<1x16xf32>,
        %get3A_610 = vector.shape_cast %get3A_609 : vector<1x16xf32> to vector<16xf32>
        %add3A_611 = arith.addf %add3A_583, %get3A_610 : vector<16xf32>
        %mul3A_612 = arith.constant 32 : i32
        %mul3A_613 = arith.muli %add3A_39, %mul3A_612 : i32
        %add3A_614 = arith.addi %mul3A_613, %add3A_62 : i32
        %mul3A_615 = arith.constant 5.000000e-02 : f32
        %mul3A_616 = vector.broadcast %mul3A_615 : f32 to vector<16xf32>
        %mul3A_617 = arith.mulf %add3A_590, %mul3A_616 : vector<16xf32>
        %swap3A = arith.index_cast %add3A_614 : i32 to index
        %swap3A_618 = arith.constant 0 : index
        %swap3A_619 = tpu.vector_load %arg8[%swap3A, %swap3A_618] {strides = array<i32>} : memref<512x64xf32, #tpu.memory_space<vmem>>, vector<1x16xf32>,
        %swap3A_620 = vector.shape_cast %swap3A_619 : vector<1x16xf32> to vector<16xf32>
        %swap3A_621 = vector.shape_cast %mul3A_617 : vector<16xf32> to vector<1x16xf32>
        tpu.vector_store %arg8[%swap3A, %swap3A_618], %swap3A_621 {strides = array<i32>} : memref<512x64xf32, #tpu.memory_space<vmem>>, vector<1x16xf32>,
        %mul3A_622 = arith.constant 5.000000e-02 : f32
        %mul3A_623 = vector.broadcast %mul3A_622 : f32 to vector<16xf32>
        %mul3A_624 = arith.mulf %add3A_597, %mul3A_623 : vector<16xf32>
        %swap3A_625 = arith.index_cast %add3A_614 : i32 to index
        %swap3A_626 = arith.constant 16 : index
        %swap3A_627 = tpu.vector_load %arg8[%swap3A_625, %swap3A_626] {strides = array<i32>} : memref<512x64xf32, #tpu.memory_space<vmem>>, vector<1x16xf32>,
        %swap3A_628 = vector.shape_cast %swap3A_627 : vector<1x16xf32> to vector<16xf32>
        %swap3A_629 = vector.shape_cast %mul3A_624 : vector<16xf32> to vector<1x16xf32>
        tpu.vector_store %arg8[%swap3A_625, %swap3A_626], %swap3A_629 {strides = array<i32>} : memref<512x64xf32, #tpu.memory_space<vmem>>, vector<1x16xf32>,
        %mul3A_630 = arith.constant 5.000000e-02 : f32
        %mul3A_631 = vector.broadcast %mul3A_630 : f32 to vector<16xf32>
        %mul3A_632 = arith.mulf %add3A_604, %mul3A_631 : vector<16xf32>
        %swap3A_633 = arith.index_cast %add3A_614 : i32 to index
        %swap3A_634 = arith.constant 32 : index
        %swap3A_635 = tpu.vector_load %arg8[%swap3A_633, %swap3A_634] {strides = array<i32>} : memref<512x64xf32, #tpu.memory_space<vmem>>, vector<1x16xf32>,
        %swap3A_636 = vector.shape_cast %swap3A_635 : vector<1x16xf32> to vector<16xf32>
        %swap3A_637 = vector.shape_cast %mul3A_632 : vector<16xf32> to vector<1x16xf32>
        tpu.vector_store %arg8[%swap3A_633, %swap3A_634], %swap3A_637 {strides = array<i32>} : memref<512x64xf32, #tpu.memory_space<vmem>>, vector<1x16xf32>,
        %mul3A_638 = arith.constant 5.000000e-02 : f32
        %mul3A_639 = vector.broadcast %mul3A_638 : f32 to vector<16xf32>
        %mul3A_640 = arith.mulf %add3A_611, %mul3A_639 : vector<16xf32>
        %swap3A_641 = arith.index_cast %add3A_614 : i32 to index
        %swap3A_642 = arith.constant 48 : index
        %swap3A_643 = tpu.vector_load %arg8[%swap3A_641, %swap3A_642] {strides = array<i32>} : memref<512x64xf32, #tpu.memory_space<vmem>>, vector<1x16xf32>,
        %swap3A_644 = vector.shape_cast %swap3A_643 : vector<1x16xf32> to vector<16xf32>
        %swap3A_645 = vector.shape_cast %mul3A_640 : vector<16xf32> to vector<1x16xf32>
        tpu.vector_store %arg8[%swap3A_641, %swap3A_642], %swap3A_645 {strides = array<i32>} : memref<512x64xf32, #tpu.memory_space<vmem>>, vector<1x16xf32>,
      }
      %scan3A_57 = arith.constant 32 : i32
    }
    %scan3A_10 = arith.constant 8 : i32
    %mul3A_11 = arith.constant 512 : i32
    %mul3A_12 = arith.muli %add3A, %mul3A_11 : i32
    "tpu.region"() ({
      %run_scoped3A = tpu.sem_alloc : memref<!tpu.dma_semaphore, #tpu.memory_space<semaphore_mem>>
      %dma_start3A_13 = arith.constant 0 : i32
      %dma_start3A_14 = tpu.memref_slice %arg4[%mul3A_12, %dma_start3A_13] : memref<16384x64xf32, #tpu.memory_space<hbm>> -> memref<512x64xf32, #tpu.memory_space<hbm>>
      %dma_start3A_15 = arith.constant 0 : i32
      %dma_start3A_16 = tpu.memref_slice %arg4[%mul3A_12, %dma_start3A_15] : memref<16384x64xf32, #tpu.memory_space<hbm>> -> memref<512x64xf32, #tpu.memory_space<hbm>>
      tpu.enqueue_dma source(%arg8 : memref<512x64xf32, #tpu.memory_space<vmem>>) target(%dma_start3A_16 : memref<512x64xf32, #tpu.memory_space<hbm>>) target_semaphore(%run_scoped3A : memref<!tpu.dma_semaphore, #tpu.memory_space<semaphore_mem>>)
      %dma_wait3A = arith.constant 0 : i32
      %dma_wait3A_17 = tpu.memref_slice %arg4[%mul3A_12, %dma_wait3A] : memref<16384x64xf32, #tpu.memory_space<hbm>> -> memref<512x64xf32, #tpu.memory_space<hbm>>
      %dma_wait3A_18 = arith.constant 0 : i32
      %dma_wait3A_19 = tpu.memref_slice %arg4[%mul3A_12, %dma_wait3A_18] : memref<16384x64xf32, #tpu.memory_space<hbm>> -> memref<512x64xf32, #tpu.memory_space<hbm>>
      tpu.wait_dma2 semaphore(%run_scoped3A : memref<!tpu.dma_semaphore, #tpu.memory_space<semaphore_mem>>) src(%arg8 : memref<512x64xf32, #tpu.memory_space<vmem>>) dst(%dma_wait3A_19 : memref<512x64xf32, #tpu.memory_space<hbm>>)
      tpu.yield
    }) : () -> ()
    return
  }
}

module attributes {stable_mosaic.version = 14 : i64} {
  func.func @_mlp_t_body(%arg0: i32, %arg1: memref<2048x64xf32, #tpu.memory_space<vmem>>, %arg2: memref<128x64xf32, #tpu.memory_space<vmem>>, %arg3: memref<128x1xf32, #tpu.memory_space<vmem>>, %arg4: memref<64x128xf32, #tpu.memory_space<vmem>>, %arg5: memref<64x1xf32, #tpu.memory_space<vmem>>, %arg6: memref<1000x64xf32, #tpu.memory_space<vmem>>, %arg7: memref<1000x1xf32, #tpu.memory_space<vmem>>, %arg8: memref<1000x2048xf32, #tpu.memory_space<vmem>>) attributes {dimension_semantics = [#tpu.dimension_semantics<arbitrary>], iteration_bounds = array<i64: 8>, scalar_prefetch = 0 : i64, scratch_operands = 0 : i64, tpu.core_type = #tpu.core_type<tc>, window_params = [{transform_indices = @transform_0, window_bounds = array<i64: 2048, 64>}, {pipeline_mode = #tpu.pipeline_mode<synchronous>, transform_indices = @transform_1, window_bounds = array<i64: 128, 64>}, {pipeline_mode = #tpu.pipeline_mode<synchronous>, transform_indices = @transform_2, window_bounds = array<i64: 128, 1>}, {pipeline_mode = #tpu.pipeline_mode<synchronous>, transform_indices = @transform_3, window_bounds = array<i64: 64, 128>}, {pipeline_mode = #tpu.pipeline_mode<synchronous>, transform_indices = @transform_4, window_bounds = array<i64: 64, 1>}, {pipeline_mode = #tpu.pipeline_mode<synchronous>, transform_indices = @transform_5, window_bounds = array<i64: 1000, 64>}, {pipeline_mode = #tpu.pipeline_mode<synchronous>, transform_indices = @transform_6, window_bounds = array<i64: 1000, 1>}, {transform_indices = @transform_7, window_bounds = array<i64: 1000, 2048>}]} {
    %get3A = arith.constant 0 : index
    %get3A_0 = arith.constant 0 : index
    %get3A_1 = vector.load %arg1[%get3A, %get3A_0] : memref<2048x64xf32, #tpu.memory_space<vmem>>, vector<2048x64xf32>
    %convert_element_type3A = arith.truncf %get3A_1 : vector<2048x64xf32> to vector<2048x64xbf16>
    %transpose3A = tpu.transpose %convert_element_type3A, [1, 0] : vector<2048x64xbf16> -> vector<64x2048xbf16>
    %get3A_2 = arith.constant 0 : index
    %get3A_3 = arith.constant 0 : index
    %get3A_4 = vector.load %arg2[%get3A_2, %get3A_3] : memref<128x64xf32, #tpu.memory_space<vmem>>, vector<128x64xf32>
    %convert_element_type3A_5 = arith.truncf %get3A_4 : vector<128x64xf32> to vector<128x64xbf16>
    %dot_general3A = arith.constant dense<0.000000e+00> : vector<128x2048xf32>
    %dot_general3A_6 = tpu.matmul %convert_element_type3A_5, %transpose3A, %dot_general3A {dimension_numbers = #tpu.dot_dimension_numbers<[1], [0], [0], [1], [0, 0, 1, 1], [], []>, transpose_lhs_hint = false} : vector<128x64xbf16>, vector<64x2048xbf16>, vector<128x2048xf32> -> vector<128x2048xf32>
    %get3A_7 = arith.constant 0 : index
    %get3A_8 = arith.constant 0 : index
    %get3A_9 = vector.load %arg3[%get3A_7, %get3A_8] : memref<128x1xf32, #tpu.memory_space<vmem>>, vector<128x1xf32>
    %add3A = vector.broadcast %get3A_9 : vector<128x1xf32> to vector<128x2048xf32>
    %add3A_10 = arith.addf %dot_general3A_6, %add3A : vector<128x2048xf32>
    %max3A = arith.constant 0.000000e+00 : f32
    %max3A_11 = vector.broadcast %max3A : f32 to vector<128x2048xf32>
    %max3A_12 = arith.maximumf %add3A_10, %max3A_11 : vector<128x2048xf32>
    %get3A_13 = arith.constant 0 : index
    %get3A_14 = arith.constant 0 : index
    %get3A_15 = vector.load %arg4[%get3A_13, %get3A_14] : memref<64x128xf32, #tpu.memory_space<vmem>>, vector<64x128xf32>
    %convert_element_type3A_16 = arith.truncf %get3A_15 : vector<64x128xf32> to vector<64x128xbf16>
    %convert_element_type3A_17 = arith.truncf %max3A_12 : vector<128x2048xf32> to vector<128x2048xbf16>
    %dot_general3A_18 = arith.constant dense<0.000000e+00> : vector<64x2048xf32>
    %dot_general3A_19 = tpu.matmul %convert_element_type3A_16, %convert_element_type3A_17, %dot_general3A_18 {dimension_numbers = #tpu.dot_dimension_numbers<[1], [0], [0], [1], [0, 0, 1, 1], [], []>, transpose_lhs_hint = false} : vector<64x128xbf16>, vector<128x2048xbf16>, vector<64x2048xf32> -> vector<64x2048xf32>
    %get3A_20 = arith.constant 0 : index
    %get3A_21 = arith.constant 0 : index
    %get3A_22 = vector.load %arg5[%get3A_20, %get3A_21] : memref<64x1xf32, #tpu.memory_space<vmem>>, vector<64x1xf32>
    %add3A_23 = vector.broadcast %get3A_22 : vector<64x1xf32> to vector<64x2048xf32>
    %add3A_24 = arith.addf %dot_general3A_19, %add3A_23 : vector<64x2048xf32>
    %max3A_25 = arith.constant 0.000000e+00 : f32
    %max3A_26 = vector.broadcast %max3A_25 : f32 to vector<64x2048xf32>
    %max3A_27 = arith.maximumf %add3A_24, %max3A_26 : vector<64x2048xf32>
    %get3A_28 = arith.constant 0 : index
    %get3A_29 = arith.constant 0 : index
    %get3A_30 = vector.load %arg6[%get3A_28, %get3A_29] : memref<1000x64xf32, #tpu.memory_space<vmem>>, vector<1000x64xf32>
    %convert_element_type3A_31 = arith.truncf %get3A_30 : vector<1000x64xf32> to vector<1000x64xbf16>
    %convert_element_type3A_32 = arith.truncf %max3A_27 : vector<64x2048xf32> to vector<64x2048xbf16>
    %dot_general3A_33 = arith.constant dense<0.000000e+00> : vector<1000x2048xf32>
    %dot_general3A_34 = tpu.matmul %convert_element_type3A_31, %convert_element_type3A_32, %dot_general3A_33 {dimension_numbers = #tpu.dot_dimension_numbers<[1], [0], [0], [1], [0, 0, 1, 1], [], []>, transpose_lhs_hint = false} : vector<1000x64xbf16>, vector<64x2048xbf16>, vector<1000x2048xf32> -> vector<1000x2048xf32>
    %get3A_35 = arith.constant 0 : index
    %get3A_36 = arith.constant 0 : index
    %get3A_37 = vector.load %arg7[%get3A_35, %get3A_36] : memref<1000x1xf32, #tpu.memory_space<vmem>>, vector<1000x1xf32>
    %add3A_38 = vector.broadcast %get3A_37 : vector<1000x1xf32> to vector<1000x2048xf32>
    %add3A_39 = arith.addf %dot_general3A_34, %add3A_38 : vector<1000x2048xf32>
    %swap3A = arith.constant 0 : index
    %swap3A_40 = arith.constant 0 : index
    %swap3A_41 = vector.load %arg8[%swap3A, %swap3A_40] : memref<1000x2048xf32, #tpu.memory_space<vmem>>, vector<1000x2048xf32>
    tpu.vector_store %arg8[%swap3A, %swap3A_40], %add3A_39 {strides = array<i32>} : memref<1000x2048xf32, #tpu.memory_space<vmem>>, vector<1000x2048xf32>,
    return
  }
  func.func @transform_0(%arg0: i32) -> (i32, i32) {
    %c0_i32 = arith.constant 0 : i32
    %c0_i32_0 = arith.constant 0 : i32
    return %arg0, %c0_i32 : i32, i32
  }
  func.func @transform_1(%arg0: i32) -> (i32, i32) {
    %c0_i32 = arith.constant 0 : i32
    %c0_i32_0 = arith.constant 0 : i32
    %c0_i32_1 = arith.constant 0 : i32
    return %c0_i32, %c0_i32_0 : i32, i32
  }
  func.func @transform_2(%arg0: i32) -> (i32, i32) {
    %c0_i32 = arith.constant 0 : i32
    %c0_i32_0 = arith.constant 0 : i32
    %c0_i32_1 = arith.constant 0 : i32
    return %c0_i32, %c0_i32_0 : i32, i32
  }
  func.func @transform_3(%arg0: i32) -> (i32, i32) {
    %c0_i32 = arith.constant 0 : i32
    %c0_i32_0 = arith.constant 0 : i32
    %c0_i32_1 = arith.constant 0 : i32
    return %c0_i32, %c0_i32_0 : i32, i32
  }
  func.func @transform_4(%arg0: i32) -> (i32, i32) {
    %c0_i32 = arith.constant 0 : i32
    %c0_i32_0 = arith.constant 0 : i32
    %c0_i32_1 = arith.constant 0 : i32
    return %c0_i32, %c0_i32_0 : i32, i32
  }
  func.func @transform_5(%arg0: i32) -> (i32, i32) {
    %c0_i32 = arith.constant 0 : i32
    %c0_i32_0 = arith.constant 0 : i32
    %c0_i32_1 = arith.constant 0 : i32
    return %c0_i32, %c0_i32_0 : i32, i32
  }
  func.func @transform_6(%arg0: i32) -> (i32, i32) {
    %c0_i32 = arith.constant 0 : i32
    %c0_i32_0 = arith.constant 0 : i32
    %c0_i32_1 = arith.constant 0 : i32
    return %c0_i32, %c0_i32_0 : i32, i32
  }
  func.func @transform_7(%arg0: i32) -> (i32, i32) {
    %c0_i32 = arith.constant 0 : i32
    %c0_i32_0 = arith.constant 0 : i32
    return %c0_i32, %arg0 : i32, i32
  }
}

</mosaic_0001>

<sc_bundles>
// kernel: kernel.4.cloned.1.call-start
scs
__scs_entry_jumppad:
0x0: {  	(pc) =	sbr.rel $0x88, $3  }
0x1: {  	(tag) =	ssettag $0x0;
	lr =	simm.s32 $0x1  }
0x2: {  	[smem:$0x3F99] =	sst lr;
	_ =	strace $0xD0000000  }
0x3: {  	_ = 	snop  }
0x4: {  	_ = 	snop  }
0x5: {  	_ = 	snop  }
0x6: {  	_ = 	snop  }
0x7: {  	_ = 	snop  }
__scs_overlays_trampoline_lowered:
0x8: {  	[smem:$0x3FA8] =	sst s0  }
0x9: {  	[smem:$0x3FA9] =	sst s1  }
0xa: {  	[smem:$0x3FAA] =	sst s2  }
0xb: {  	[smem:$0x3FAB] =	sst s3  }
0xc: {  	[smem:$0x3FAC] =	sst s4  }
0xd: {  	[smem:$0x3FAD] =	sst s5  }
0xe: {  	[smem:$0x3FAE] =	sst s6  }
0xf: {  	[smem:$0x3FAF] =	sst s7  }
0x10: {  	[smem:$0x3FB0] =	sst s8  }
0x11: {  	[smem:$0x3FB1] =	sst s9;
	s0 =	simm.s32 @!p0 $0x0  }
0x12: {  	s1 =	sld [smem:$0x3F97];
	s0 =	simm.s32 @p0 $0x1  }
0x13: {  	[smem:$0x3FB2] =	sst s0;
	s0 =	simm.s32 @!p1 $0x0  }
0x14: {  	s2 =	sld [smem:$0x3F96];
	s0 =	simm.s32 @p1 $0x1  }
0x15: {  	[smem:$0x3FB3] =	sst s0;
	s0 =	simm.s32 @!p2 $0x0  }
0x16: {  	s3 =	sld [smem:$0x3FDB];
	s0 =	simm.s32 @p2 $0x1  }
0x17: {  	s4 =	simm.s32 $0x1BF5;
	[smem:$0x3FB5] =	sst s0  }
0x18: {  	s0 =	sld [smem:$0x3F98];
	_ =	swait.ge [sflag:s4], $0x0  }
0x19: {  	s7 =	sld [smem:$0x3F99]  }
0x1a: {  	s8 =	sadd.s32 $0xFFFFE003, lr  }
0x1b: {  	s9 =	sadd.s32 $0xFFFFFEF7, lr;
	s5 =	simm.s32 $0xFFFFFFFF;
	p2 =	slt.u32 s8, $0xFFFFF086  }
0x1c: {  	p1 =	slt.u32 s9, $0xF7A;
	s5 =	simm.s32 @!p2 $0x0  }
0x1d: {  	s5 =	simm.s32 @p1 $0x1;
	p0 =	seq.s32 s7, s2  }
0x1e: {  	s7 =	smul.u32 @!p0 $0xF7A, s2;
	p2 =	seq.s32 @!p0 s5, $0x0  }
0x1f: {  	s9 =	smul.u32 $0xF7A, s1;
	s8 =	simm.s32 @!p0 $0x1BF5;
	p2 =	por !p2, p0  }
0x20: {  	[sflag:s8] =	ssyncset.s32 @!p0 $0xFFFFF086;
	s6 =	sadd.s32 @!p0 s3, s7;
	s7 =	simm.s32 @!p0 $0x108  }
0x21: {  	s3 =	sadd.s32 s3, s9;
	s6 =	sadd.s32 @!p0 $0x88, s6;
	s7 =	simm.s32 @p2 $0x1082  }
0x22: {  	[simem:s7], [sflag:s8] =	dma.local @!p0 [hbm:s6], $0xF7A  }
0x23: {  	s9 =	sor.u32 $0xD0000000, s2;
	s6 =	simm.s32 $0x108;
	_ =	swait.ge @!p0 [sflag:s8], $0x0  }
0x24: {  	s3 =	sadd.s32 $0x88, s3;
	s6 =	simm.s32 @!p1 $0x1082;
	[sflag:s4] =	ssyncset.s32 $0xFFFFF086  }
0x25: {  	[simem:s6], [sflag:s4] =	dma.local [hbm:s3], $0xF7A  }
0x26: {  	[smem:$0x3F99] =	sst s1;
	(tag) =	ssettag s2;
	_ =	strace s9  }
0x27: {  	s1 =	sld [smem:$0x3FA9]  }
0x28: {  	s2 =	sld [smem:$0x3FAA]  }
0x29: {  	s4 =	sld [smem:$0x3FAC]  }
0x2a: {  	p0 =	seq.s32 s5, $0x0;
	s5 =	sld [smem:$0x3FAD]  }
0x2b: {  	s6 =	sld [smem:$0x3FAE]  }
0x2c: {  	s7 =	sld [smem:$0x3FAF]  }
0x2d: {  	s3 =	simm.s32 $0x108;
	s8 =	sld [smem:$0x3FB0]  }
0x2e: {  	s3 =	simm.s32 @!p0 $0x1082;
	s9 =	sld [smem:$0x3FB1]  }
0x2f: {  	lr =	sadd.s32 s0, s3;
	s0 =	sld [smem:$0x3FA8]  }
0x30: {  	s3 =	sld [smem:$0x3FAB]  }
0x31: {  	[smem:$0x3FB4] =	sst s10  }
0x32: {  	s10 =	sld [smem:$0x3FB2];
	_ =	sdelay $0x3  }
0x33: {  	p0 =	seq.s32 s10, $0x1;
	s10 =	sld [smem:$0x3FB4];
	_ =	sdelay $0x3  }
0x34: {  	[smem:$0x3FB4] =	sst s10  }
0x35: {  	s10 =	sld [smem:$0x3FB3];
	_ =	sdelay $0x3  }
0x36: {  	p1 =	seq.s32 s10, $0x1;
	s10 =	sld [smem:$0x3FB4];
	_ =	sdelay $0x3  }
0x37: {  	[smem:$0x3FB4] =	sst s10  }
0x38: {  	s10 =	sld [smem:$0x3FB5]  }
0x39: {  	_ = 	snop;
	(pc) =	sbr.ind lr, $3  }
0x3a: {  	_ = 	snop  }
0x3b: {  	_ = 	snop  }
0x3c: {  	p2 =	seq.s32 s10, $0x1;
	s10 =	sld [smem:$0x3FB4]  }
0x3d: {  	_ =	shalt  }
0x3e: {  	_ =	shalt  }
0x3f: {  	_ =	shalt  }
0x40: {  	_ =	shalt  }
0x41: {  	_ =	shalt  }
0x42: {  	_ =	shalt  }
0x43: {  	_ =	shalt  }
0x44: {  	_ =	shalt  }
0x45: {  	_ =	shalt  }
0x46: {  	_ =	shalt  }
0x47: {  	_ =	shalt  }
0x48: {  	_ =	shalt  }
0x49: {  	_ =	shalt  }
0x4a: {  	_ =	shalt  }
0x4b: {  	_ =	shalt  }
0x4c: {  	_ =	shalt  }
0x4d: {  	_ =	shalt  }
0x4e: {  	_ =	shalt  }
0x4f: {  	_ =	shalt  }
0x50: {  	_ =	shalt  }
0x51: {  	_ =	shalt  }
0x52: {  	_ =	shalt  }
0x53: {  	_ =	shalt  }
0x54: {  	_ =	shalt  }
0x55: {  	_ =	shalt  }
0x56: {  	_ =	shalt  }
0x57: {  	_ =	shalt  }
0x58: {  	_ =	shalt  }
0x59: {  	_ =	shalt  }
0x5a: {  	_ =	shalt  }
0x5b: {  	_ =	shalt  }
0x5c: {  	_ =	shalt  }
0x5d: {  	_ =	shalt  }
0x5e: {  	_ =	shalt  }
0x5f: {  	_ =	shalt  }
0x60: {  	_ =	shalt  }
0x61: {  	_ =	shalt  }
0x62: {  	_ =	shalt  }
0x63: {  	_ =	shalt  }
0x64: {  	_ =	shalt  }
0x65: {  	_ =	shalt  }
0x66: {  	_ =	shalt  }
0x67: {  	_ =	shalt  }
0x68: {  	_ =	shalt  }
0x69: {  	_ =	shalt  }
0x6a: {  	_ =	shalt  }
0x6b: {  	_ =	shalt  }
0x6c: {  	_ =	shalt  }
0x6d: {  	_ =	shalt  }
0x6e: {  	_ =	shalt  }
0x6f: {  	_ =	shalt  }
0x70: {  	_ =	shalt  }
0x71: {  	_ =	shalt  }
0x72: {  	_ =	shalt  }
0x73: {  	_ =	shalt  }
0x74: {  	_ =	shalt  }
0x75: {  	_ =	shalt  }
0x76: {  	_ =	shalt  }
0x77: {  	_ =	shalt  }
0x78: {  	_ =	shalt  }
0x79: {  	_ =	shalt  }
0x7a: {  	_ =	shalt  }
0x7b: {  	_ =	shalt  }
0x7c: {  	_ =	shalt  }
0x7d: {  	_ =	shalt  }
0x7e: {  	_ =	shalt  }
0x7f: {  	_ =	shalt  }
0x80: {  	_ =	shalt  }
0x81: {  	_ =	shalt  }
0x82: {  	_ =	shalt  }
0x83: {  	_ =	shalt  }
0x84: {  	_ =	shalt  }
0x85: {  	_ =	shalt  }
0x86: {  	_ =	shalt  }
0x87: {  	_ =	shalt  }
.Lfunc_end0:
.L_simem_size_0:
called_computation_lowered:
.L_overlay_start_0:
0x88: {  	s2 =	sld [smem:$0x3FD9]  }
0x89: {  	s3 =	sld [smem:$0x3FFE];
	_ =	sdelay $0x1  }
0x8a: {  	s1 =	srdreg.scid  }
0x8b: {  	s0 =	sand.u32 $0x1, s1  }
0x8c: {  	s17 =	sshll.u32 s0, $0xA;
	s2 =	sadd.s32 s3, s2  }
0x8d: {  	s2 =	sadd.s32 s2, s17  }
0x8e: {  	[smem:$0x3FC0] =	sst s2  }
0x8f: {  	_ = 	snop  }
0x90: {  	s2 =	sld [smem:$0x3FD0];
	(tm) =	ssettm $0x1  }
0x91: {  	s18 =	sld [smem:$0x3FFB];
	_ =	sdelay $0x3  }
0x92: {  	_ =	strace s18  }
0x93: {  	s3 =	sld [smem:$0x3FFC];
	_ =	sdelay $0x3  }
0x94: {  	_ =	strace s3  }
0x95: {  	s3 =	sld [smem:$0x3FFD];
	_ =	sdelay $0x3  }
0x96: {  	_ =	strace s3  }
0x97: {  	_ =	strace $0x8FFFFFFF  }
0x98: {  	s19 =	sld [smem:$0x3FDB];
	_ =	sdelay $0x1  }
0x99: {  	s4 =	simm.s32 $_scs_section_size  }
0x9a: {  	s5 =	simm.s32 $_size__tile_overlayer_lowered;
	s6 =	simm.s32 $_tile_overlayer_lowered  }
0x9b: {  	s22 =	simm.s32 $0x1BFF;
	s21 =	sshll.u32 s6, $0x1;
	s3 =	sadd.s32 s4, s19  }
0x9c: {  	s7 =	simm.s32 $0x0;
	s20 =	sshll.u32 s5, $0x1;
	s5 =	sadd.s32 s21, s3  }
0x9d: {  	[timem:s7], [sflag:s22] =	dma.local [hbm:s5], s20  }
0x9e: {  	_ =	swait.ge [sflag:s22], s20  }
0x9f: {  	s4 =	ssub.s32 $0x0, s20;
	[sflag:s22] =	ssyncset.done $0x0  }
0xa0: {  	[sflag:s22] =	ssyncadd.s32 s4;
	_ =	sdelay $0x1  }
0xa1: {  	s23 =	simm.s32 $0x1B8B  }
0xa2: {  	_ =	swait.ge [sflag:s23], $0x1  }
0xa3: {  	[sflag:s23] =	ssyncset.done $0x0  }
0xa4: {  	s25 =	simm.s32 $0x1B8E;
	s24 =	sld [smem:$0x3FFE];
	[sflag:s23] =	ssyncadd.s32 $0xFFFFFFFF  }
0xa5: {  	s26 =	simm.s32 $execute0_lowered;
	[smem:$0x3FD2] =	sst s25  }
0xa6: {  	s5 =	sshll.u32 s26, $0x1;
	_ =	strace $0x80000046;
	[dreg:$0x1] =	wrdreg $0xFFFFFFFF  }
0xa7: {  	s28 =	simm.s32 $_size_execute0_lowered;
	s3 =	sadd.s32 s3, s5;
	[dreg:$0x0] =	wrdreg $0x0  }
0xa8: {  	s5 =	sshll.u32 s28, $0x1;
	[dreg:$0x2] =	wrdreg s3  }
0xa9: {  	[dreg:$0x3] =	wrdreg s5  }
0xaa: {  	[dreg:$0x4] =	wrdreg $0xC0  }
0xab: {  	_ =	task [dreg:s7], $0x5FFFF  }
0xac: {  	[dreg:$0x1] =	wrdreg $0xFFFFFFFF  }
0xad: {  	[dreg:$0x0] =	wrdreg $0x60  }
0xae: {  	[dreg:$0x2] =	wrdreg s24  }
0xaf: {  	[dreg:$0x3] =	wrdreg s2  }
0xb0: {  	[dreg:$0x4] =	wrdreg $0x9  }
0xb1: {  	_ =	task.clear_ibuf [dreg:s7], $0x5FFFF;
	_ =	strace $0x90000046  }
0xb2: {  	s29 =	simm.s32 $0x9;
	_ =	strace $0x80000048  }
0xb3: {  	_ =	swait.ge [sflag:s29], $0x1  }
0xb4: {  	[sflag:s29] =	ssyncadd.s32 $0xFFFFFFFF  }
0xb5: {  	_ =	strace $0x90000048  }
0xb6: {  	_ =	sfence  }
0xb7: {  	s30 =	sld [smem:$0x0];
	_ =	sdelay $0x2  }
0xb8: {  	s31 =	sshll.u32 s1, $0xD;
	s1 =	sshrl.u32 s1, $0x2  }
0xb9: {  	s3 =	sand.u32 $0x4000, s31;
	s1 =	sadd.s32 s1, s30  }
0xba: {  	s0 =	sor.u32 s3, s0;
	s1 =	sshll.u32 s1, $0x11  }
0xbb: {  	s0 =	sor.u32 s1, s0  }
0xbc: {  	s0 =	sadd.s32 $0x8F2B, s0  }
0xbd: {  	[sflag:s0] =	ssyncadd.remote.s32 $0x1  }
0xbe: {  	_ =	sfence.sel $0xFFFF  }
0xbf: {  	[dreg:$0x0] =	wrdreg $0xFFFFFFFF;
	(pc) =	sbr.abs _section_cstart, $3  }
0xc0: {  	[dreg:$0x1] =	wrdreg $0xFFFFFFFF  }
0xc1: {  	_ =	task.clear_ibuf [dreg:s7], $0x2FFFF;
	_ =	strace $0x9FFFFFFF  }
0xc2: {  	(tm) =	ssettm $0x7FFFFFFF  }
0xc3: {  	_ =	shalt  }
tec
execute0_lowered:
.L_overlay_start_1:
0x0: {  	(tag) =	ssettag $0x1  }
0x1: {  	s1 =	srdreg.scid;
	s3 =	rddreg [dreg:$0x0]  }
0x2: {  	s0 =	stileid.u32;
	s5 =	rddreg [dreg:$0x1];
	s2 =	simm.s32 $0x0  }
0x3: {  	s9 =	simm.s32 $0x2800;
	s10 =	simm.s32 $0xC800;
	s11 =	simm.s32 $0x1  }
0x4: {  	s12 =	simm.s32 $0x2;
	s13 =	simm.s32 $0x16800;
	s14 =	simm.s32 $0x0  }
0x5: {  	s4 =	sand.u32 $0x1, s1;
	s31 =	sshll.u32 s0, $0x1;
	s1 =	rddreg [dreg:$0x2]  }
0x6: {  	[smem:$0x7FF] =	sst s2;
	s6 =	sor.u32 s4, s31;
	s4 =	ssub.s32 $0x2, s4  }
0x7: {  	s7 =	smul.u32 $0x500, s6;
	s8 =	sshrl.u32 s4, $0x1;
	s6 =	sshll.u32 s6, $0xC  }
0x8: {  	_ =	strace $0x80000047;
	s8 =	ssub.s32 s4, s8;
	s5 =	sadd.s32 s5, s6  }
0x9: {  	s7 =	sadd.s32 s7, s3;
	s3 =	sadd.s32 $0xB200, s3;
	s6 =	smax.u32 s8, $0x1  }
0xa: {  	s8 =	simm.s32 $0x280;
	s4 =	sadd.s32 $0x1200, s7;
	s7 =	simm.s32 $0x3  }
.LBB2_1:
0xb: {  	[tilespmem:s2], [sflag:$0x3] =	stream.linear.gather [hbm4b:s4+s2], $0x2800, $0x38;
	[tilespmem:$0x1E800] =	vst v63  }
0xc: {  	_ =	swait.ge [sflag:s7], $0x2800  }
0xd: {  	s15 =	simm.s32 $0x16830;
	[sflag:s7] =	ssyncset.done $0x0  }
0xe: {  	s16 =	simm.s32 $0x17030;
	s17 =	simm.s32 $0x0;
	[sflag:s7] =	ssyncadd.s32 $0xFFFFD800  }
0xf: {  	[tilespmem:s9], [sflag:$0x1] =	stream.indirect.gather [hbm4b:s3+s8], $0x40, s2, s8, $0xb8;
	[tilespmem:$0x1E800] =	vst v63  }
.LBB2_2:
0x10: {  	s18 =	sshllo.u32 s17, $0x1  }
0x11: {  	s18 =	smul.u32 $0xA00, s18;
	_ =	sdelay $0x1  }
0x12: {  	s18 =	sshra.s32 s18, $0x2  }
0x13: {  	[tilespmem:s10], [sflag:$0x2] =	stream.indirect.gather [hbm4b:s3+s8], $0x40, s18, s8, $0xb8;
	[tilespmem:$0x1E800] =	vst v63  }
0x14: {  	_ =	swait.ge [sflag:s11], $0xA000  }
0x15: {  	[sflag:s11] =	ssyncset.done $0x0  }
0x16: {  	s18 =	simm.s32 $0x2A80;
	[sflag:s11] =	ssyncadd.s32 $0xFFFF6000  }
0x17: {  	v1 =	vld [tilespmem:s18+$0x250]  }
0x18: {  	v2 =	vld [tilespmem:s18+$0x240]  }
0x19: {  	v3 =	vld [tilespmem:s18+$0x210]  }
0x1a: {  	v0 =	vld [tilespmem:s18+$0x200]  }
0x1b: {  	v4 =	vld [tilespmem:s18+$0x1D0]  }
0x1c: {  	v5 =	vld [tilespmem:s18+$0x1C0]  }
0x1d: {  	v6 =	vld [tilespmem:s18+$0x190]  }
0x1e: {  	v7 =	vld [tilespmem:s18+$0x180]  }
0x1f: {  	v8 =	vld [tilespmem:s18+$0x150]  }
0x20: {  	v9 =	vld [tilespmem:s18+$0x140]  }
0x21: {  	v10 =	vld [tilespmem:s18+$0x110]  }
0x22: {  	v11 =	vld [tilespmem:s18+$0x100]  }
0x23: {  	v12 =	vld [tilespmem:s18+$0xD0]  }
0x24: {  	v13 =	vld [tilespmem:s18+$0xC0]  }
0x25: {  	v14 =	vld [tilespmem:s18+$0x90]  }
0x26: {  	v15 =	vld [tilespmem:s18+$0x80]  }
0x27: {  	v16 =	vld [tilespmem:s18+$0x50]  }
0x28: {  	v17 =	vld [tilespmem:s18+$0x40]  }
0x29: {  	v18 =	vld [tilespmem:s18+$0x10]  }
0x2a: {  	v19 =	vld [tilespmem:s18+$0x0]  }
0x2b: {  	v20 =	vld [tilespmem:s18+$0xFFFFFFD0]  }
0x2c: {  	v21 =	vld [tilespmem:s18+$0xFFFFFFC0]  }
0x2d: {  	v22 =	vld [tilespmem:s18+$0xFFFFFF90]  }
0x2e: {  	v23 =	vld [tilespmem:s18+$0xFFFFFF80]  }
0x2f: {  	v24 =	vld [tilespmem:s18+$0xFFFFFF50]  }
0x30: {  	v25 =	vld [tilespmem:s18+$0xFFFFFF40]  }
0x31: {  	v26 =	vld [tilespmem:s18+$0xFFFFFF10]  }
0x32: {  	v27 =	vld [tilespmem:s18+$0xFFFFFF00]  }
0x33: {  	v28 =	vld [tilespmem:s18+$0xFFFFFED0]  }
0x34: {  	v29 =	vld [tilespmem:s18+$0xFFFFFEC0]  }
0x35: {  	v30 =	vld [tilespmem:s18+$0xFFFFFE90]  }
0x36: {  	v31 =	vld [tilespmem:s18+$0xFFFFFE80]  }
0x37: {  	v32 =	vld [tilespmem:s18+$0xFFFFFE50]  }
0x38: {  	v33 =	vld [tilespmem:s18+$0xFFFFFE40]  }
0x39: {  	v34 =	vld [tilespmem:s18+$0xFFFFFE10]  }
0x3a: {  	v35 =	vld [tilespmem:s18+$0xFFFFFDF0]  }
0x3b: {  	v36 =	vld [tilespmem:s18+$0xFFFFFE00]  }
0x3c: {  	v37 =	vld [tilespmem:s18+$0xFFFFFDE0]  }
0x3d: {  	v38 =	vld [tilespmem:s18+$0xFFFFFDD0]  }
0x3e: {  	v39 =	vld [tilespmem:s18+$0xFFFFFD80]  }
0x3f: {  	v40 =	vld [tilespmem:s18+$0xFFFFFDC0]  }
0x40: {  	v41 =	vld [tilespmem:s18+$0xFFFFFD90]  }
0x41: {  	v42 =	vld [tilespmem:s18+$0xFFFFFDA0]  }
0x42: {  	v43 =	vld [tilespmem:s18+$0xFFFFFDB0]  }
0x43: {  	v44 =	vld [tilespmem:s18+$0xFFFFFE20]  }
0x44: {  	v55 =	vld [tilespmem:s18+$0xFFFFFE30];
	v39 =	vadd.f32 v40, v39  }
0x45: {  	v56 =	vld [tilespmem:s18+$0xFFFFFE60];
	v38 =	vadd.f32 v38, v41  }
0x46: {  	v57 =	vld [tilespmem:s18+$0xFFFFFE70];
	v37 =	vadd.f32 v37, v42;
	v36 =	vadd.f32 v36, v39  }
0x47: {  	v58 =	vld [tilespmem:s18+$0xFFFFFEA0];
	v35 =	vadd.f32 v35, v43;
	v34 =	vadd.f32 v34, v38  }
0x48: {  	v59 =	vld [tilespmem:s18+$0xFFFFFEB0];
	v37 =	vadd.f32 v44, v37;
	v33 =	vadd.f32 v33, v36  }
0x49: {  	v60 =	vld [tilespmem:s18+$0xFFFFFEE0];
	v35 =	vadd.f32 v55, v35;
	v32 =	vadd.f32 v32, v34  }
0x4a: {  	v61 =	vld [tilespmem:s18+$0xFFFFFEF0];
	v37 =	vadd.f32 v56, v37;
	v31 =	vadd.f32 v31, v33  }
0x4b: {  	v62 =	vld [tilespmem:s18+$0xFFFFFF20];
	v35 =	vadd.f32 v57, v35;
	v30 =	vadd.f32 v30, v32  }
0x4c: {  	v63 =	vld [tilespmem:s18+$0xFFFFFF30];
	v37 =	vadd.f32 v58, v37;
	v29 =	vadd.f32 v29, v31  }
0x4d: {  	v36 =	vld [tilespmem:s18+$0xFFFFFF60];
	v35 =	vadd.f32 v59, v35;
	v28 =	vadd.f32 v28, v30  }
0x4e: {  	v38 =	vld [tilespmem:s18+$0xFFFFFF70];
	v34 =	vadd.f32 v60, v37;
	v27 =	vadd.f32 v27, v29  }
0x4f: {  	v39 =	vld [tilespmem:s18+$0xFFFFFFA0];
	v33 =	vadd.f32 v61, v35;
	v26 =	vadd.f32 v26, v28  }
0x50: {  	v40 =	vld [tilespmem:s18+$0xFFFFFFB0];
	v32 =	vadd.f32 v62, v34;
	v25 =	vadd.f32 v25, v27  }
0x51: {  	v41 =	vld [tilespmem:s18+$0xFFFFFFE0];
	v31 =	vadd.f32 v63, v33;
	v24 =	vadd.f32 v24, v26  }
0x52: {  	v42 =	vld [tilespmem:s18+$0xFFFFFFF0];
	v30 =	vadd.f32 v36, v32;
	v23 =	vadd.f32 v23, v25  }
0x53: {  	v43 =	vld [tilespmem:s18+$0x20];
	v29 =	vadd.f32 v38, v31;
	v22 =	vadd.f32 v22, v24  }
0x54: {  	v44 =	vld [tilespmem:s18+$0x30];
	v28 =	vadd.f32 v39, v30;
	v21 =	vadd.f32 v21, v23  }
0x55: {  	v45 =	vld [tilespmem:s18+$0x60];
	v27 =	vadd.f32 v40, v29;
	v20 =	vadd.f32 v20, v22  }
0x56: {  	v46 =	vld [tilespmem:s18+$0x70];
	v26 =	vadd.f32 v41, v28;
	v19 =	vadd.f32 v19, v21  }
0x57: {  	v47 =	vld [tilespmem:s18+$0xA0];
	v25 =	vadd.f32 v42, v27;
	v18 =	vadd.f32 v18, v20  }
0x58: {  	v48 =	vld [tilespmem:s18+$0xB0];
	v24 =	vadd.f32 v43, v26;
	v17 =	vadd.f32 v17, v19  }
0x59: {  	v49 =	vld [tilespmem:s18+$0xE0];
	v23 =	vadd.f32 v44, v25;
	v16 =	vadd.f32 v16, v18  }
0x5a: {  	v50 =	vld [tilespmem:s18+$0xF0];
	v22 =	vadd.f32 v45, v24;
	v15 =	vadd.f32 v15, v17  }
0x5b: {  	v51 =	vld [tilespmem:s18+$0x120];
	v21 =	vadd.f32 v46, v23;
	v14 =	vadd.f32 v14, v16  }
0x5c: {  	v52 =	vld [tilespmem:s18+$0x130];
	v20 =	vadd.f32 v47, v22;
	v13 =	vadd.f32 v13, v15  }
0x5d: {  	v53 =	vld [tilespmem:s18+$0x160];
	v19 =	vadd.f32 v48, v21;
	v12 =	vadd.f32 v12, v14  }
0x5e: {  	v54 =	vld [tilespmem:s18+$0x170];
	v18 =	vadd.f32 v49, v20;
	v11 =	vadd.f32 v11, v13  }
0x5f: {  	v55 =	vld [tilespmem:s18+$0x1A0];
	v17 =	vadd.f32 v50, v19;
	v10 =	vadd.f32 v10, v12  }
0x60: {  	v56 =	vld [tilespmem:s18+$0x1B0];
	v16 =	vadd.f32 v51, v18;
	v9 =	vadd.f32 v9, v11  }
0x61: {  	v57 =	vld [tilespmem:s18+$0x1E0];
	v15 =	vadd.f32 v52, v17;
	v8 =	vadd.f32 v8, v10  }
0x62: {  	v58 =	vld [tilespmem:s18+$0x1F0];
	v14 =	vadd.f32 v53, v16;
	v7 =	vadd.f32 v7, v9  }
0x63: {  	v59 =	vld [tilespmem:s18+$0x220];
	v13 =	vadd.f32 v54, v15;
	v6 =	vadd.f32 v6, v8  }
0x64: {  	v60 =	vld [tilespmem:s18+$0x230];
	v12 =	vadd.f32 v55, v14;
	v5 =	vadd.f32 v5, v7  }
0x65: {  	v61 =	vld [tilespmem:s18+$0x260];
	v11 =	vadd.f32 v56, v13;
	v4 =	vadd.f32 v4, v6  }
0x66: {  	v10 =	vadd.f32 v57, v12;
	v5 =	vadd.f32 v0, v5  }
0x67: {  	v62 =	vld [tilespmem:s18+$0x270];
	v9 =	vadd.f32 v58, v11;
	v0 =	vmov s15;
	v3 =	vadd.f32 v3, v4  }
0x68: {  	v63 =	vadd.f32 v59, v10;
	v2 =	vadd.f32 v2, v5  }
0x69: {  	v1 =	vadd.f32 v1, v3  }
0x6a: {  	v3 =	vadd.f32 v60, v9;
	v4 =	vadd.f32 v61, v63;
	v2 =	vmul.f32 $5.000000070e-02, v2  }
0x6b: {  	s20 =	simm.s32 $0x0;
	v1 =	vmul.f32 $5.000000070e-02, v1  }
0x6c: {  	v3 =	vadd.f32 v62, v3;
	[tilespmem:v0+s20+$0xFFFFFFD0 ss:$0x1] =	vst.idx.msk $0xffff, v2;
	v2 =	vmul.f32 $5.000000070e-02, v4  }
0x6d: {  	[tilespmem:v0+s20+$0xFFFFFFE0 ss:$0x1] =	vst.idx.msk $0xffff, v1  }
0x6e: {  	s19 =	simm.s32 $0x100;
	v1 =	vmul.f32 $5.000000070e-02, v3;
	[tilespmem:v0+s20+$0xFFFFFFF0 ss:$0x1] =	vst.idx.msk $0xffff, v2  }
.LBB2_3:
0x6f: {  	p0 =	sne.s32 s19, $0x1F00  }
0x70: {  	[tilespmem:v0+s20+$0x0 ss:$0x1] =	vst.idx.msk $0xffff, v1;
	s18 =	sadd.s32 $0x500, s18;
	s20 =	smov.u32 s19;
	s19 =	sadd.s32 $0x100, s19  }
0x71: {  	v1 =	vld [tilespmem:s18+$0x250]  }
0x72: {  	v2 =	vld [tilespmem:s18+$0x240]  }
0x73: {  	v3 =	vld [tilespmem:s18+$0x210]  }
0x74: {  	v4 =	vld [tilespmem:s18+$0x200]  }
0x75: {  	v5 =	vld [tilespmem:s18+$0x1D0]  }
0x76: {  	v6 =	vld [tilespmem:s18+$0x1C0]  }
0x77: {  	v7 =	vld [tilespmem:s18+$0x190]  }
0x78: {  	v8 =	vld [tilespmem:s18+$0x180]  }
0x79: {  	v9 =	vld [tilespmem:s18+$0x150]  }
0x7a: {  	v10 =	vld [tilespmem:s18+$0x140]  }
0x7b: {  	v11 =	vld [tilespmem:s18+$0x110]  }
0x7c: {  	v12 =	vld [tilespmem:s18+$0x100]  }
0x7d: {  	v13 =	vld [tilespmem:s18+$0xD0]  }
0x7e: {  	v14 =	vld [tilespmem:s18+$0xC0]  }
0x7f: {  	v15 =	vld [tilespmem:s18+$0x90]  }
0x80: {  	v16 =	vld [tilespmem:s18+$0x80]  }
0x81: {  	v17 =	vld [tilespmem:s18+$0x50]  }
0x82: {  	v18 =	vld [tilespmem:s18+$0x40]  }
0x83: {  	v19 =	vld [tilespmem:s18+$0x10]  }
0x84: {  	v20 =	vld [tilespmem:s18+$0x0]  }
0x85: {  	v21 =	vld [tilespmem:s18+$0xFFFFFFD0]  }
0x86: {  	v22 =	vld [tilespmem:s18+$0xFFFFFFC0]  }
0x87: {  	v23 =	vld [tilespmem:s18+$0xFFFFFF90]  }
0x88: {  	v24 =	vld [tilespmem:s18+$0xFFFFFF80]  }
0x89: {  	v25 =	vld [tilespmem:s18+$0xFFFFFF50]  }
0x8a: {  	v26 =	vld [tilespmem:s18+$0xFFFFFF40]  }
0x8b: {  	v27 =	vld [tilespmem:s18+$0xFFFFFF10]  }
0x8c: {  	v28 =	vld [tilespmem:s18+$0xFFFFFF00]  }
0x8d: {  	v29 =	vld [tilespmem:s18+$0xFFFFFED0]  }
0x8e: {  	v30 =	vld [tilespmem:s18+$0xFFFFFEC0]  }
0x8f: {  	v31 =	vld [tilespmem:s18+$0xFFFFFE90]  }
0x90: {  	v32 =	vld [tilespmem:s18+$0xFFFFFE80]  }
0x91: {  	v33 =	vld [tilespmem:s18+$0xFFFFFE50]  }
0x92: {  	v34 =	vld [tilespmem:s18+$0xFFFFFE40]  }
0x93: {  	v35 =	vld [tilespmem:s18+$0xFFFFFE10]  }
0x94: {  	v36 =	vld [tilespmem:s18+$0xFFFFFDF0]  }
0x95: {  	v37 =	vld [tilespmem:s18+$0xFFFFFE00]  }
0x96: {  	v38 =	vld [tilespmem:s18+$0xFFFFFDE0]  }
0x97: {  	v39 =	vld [tilespmem:s18+$0xFFFFFDD0]  }
0x98: {  	v40 =	vld [tilespmem:s18+$0xFFFFFD80]  }
0x99: {  	v41 =	vld [tilespmem:s18+$0xFFFFFDC0]  }
0x9a: {  	v42 =	vld [tilespmem:s18+$0xFFFFFD90]  }
0x9b: {  	v43 =	vld [tilespmem:s18+$0xFFFFFDA0]  }
0x9c: {  	v44 =	vld [tilespmem:s18+$0xFFFFFDB0]  }
0x9d: {  	v45 =	vld [tilespmem:s18+$0xFFFFFE20]  }
0x9e: {  	v40 =	vadd.f32 v41, v40;
	v41 =	vld [tilespmem:s18+$0xFFFFFE30]  }
0x9f: {  	v39 =	vadd.f32 v39, v42;
	v42 =	vld [tilespmem:s18+$0xFFFFFE60]  }
0xa0: {  	v38 =	vadd.f32 v38, v43;
	v37 =	vadd.f32 v37, v40;
	v40 =	vld [tilespmem:s18+$0xFFFFFE70]  }
0xa1: {  	v36 =	vadd.f32 v36, v44;
	v35 =	vadd.f32 v35, v39;
	v39 =	vld [tilespmem:s18+$0xFFFFFEA0]  }
0xa2: {  	v38 =	vadd.f32 v45, v38;
	v34 =	vadd.f32 v34, v37;
	v37 =	vld [tilespmem:s18+$0xFFFFFEB0]  }
0xa3: {  	v36 =	vadd.f32 v41, v36;
	v33 =	vadd.f32 v33, v35;
	v35 =	vld [tilespmem:s18+$0xFFFFFEE0]  }
0xa4: {  	v38 =	vadd.f32 v42, v38;
	v32 =	vadd.f32 v32, v34;
	v34 =	vld [tilespmem:s18+$0xFFFFFEF0]  }
0xa5: {  	v36 =	vadd.f32 v40, v36;
	v31 =	vadd.f32 v31, v33;
	v33 =	vld [tilespmem:s18+$0xFFFFFF20]  }
0xa6: {  	v38 =	vadd.f32 v39, v38;
	v30 =	vadd.f32 v30, v32;
	v32 =	vld [tilespmem:s18+$0xFFFFFF30]  }
0xa7: {  	v36 =	vadd.f32 v37, v36;
	v29 =	vadd.f32 v29, v31;
	v31 =	vld [tilespmem:s18+$0xFFFFFF60]  }
0xa8: {  	v35 =	vadd.f32 v35, v38;
	v28 =	vadd.f32 v28, v30;
	v30 =	vld [tilespmem:s18+$0xFFFFFF70]  }
0xa9: {  	v34 =	vadd.f32 v34, v36;
	v27 =	vadd.f32 v27, v29;
	v29 =	vld [tilespmem:s18+$0xFFFFFFA0]  }
0xaa: {  	v33 =	vadd.f32 v33, v35;
	v26 =	vadd.f32 v26, v28;
	v28 =	vld [tilespmem:s18+$0xFFFFFFB0]  }
0xab: {  	v32 =	vadd.f32 v32, v34;
	v25 =	vadd.f32 v25, v27;
	v27 =	vld [tilespmem:s18+$0xFFFFFFE0]  }
0xac: {  	v31 =	vadd.f32 v31, v33;
	v24 =	vadd.f32 v24, v26;
	v26 =	vld [tilespmem:s18+$0xFFFFFFF0]  }
0xad: {  	v30 =	vadd.f32 v30, v32;
	v23 =	vadd.f32 v23, v25;
	v25 =	vld [tilespmem:s18+$0x20]  }
0xae: {  	v29 =	vadd.f32 v29, v31;
	v22 =	vadd.f32 v22, v24;
	v24 =	vld [tilespmem:s18+$0x30]  }
0xaf: {  	v28 =	vadd.f32 v28, v30;
	v21 =	vadd.f32 v21, v23;
	v23 =	vld [tilespmem:s18+$0x60]  }
0xb0: {  	v27 =	vadd.f32 v27, v29;
	v20 =	vadd.f32 v20, v22;
	v22 =	vld [tilespmem:s18+$0x70]  }
0xb1: {  	v26 =	vadd.f32 v26, v28;
	v19 =	vadd.f32 v19, v21;
	v21 =	vld [tilespmem:s18+$0xA0]  }
0xb2: {  	v25 =	vadd.f32 v25, v27;
	v18 =	vadd.f32 v18, v20;
	v20 =	vld [tilespmem:s18+$0xB0]  }
0xb3: {  	v24 =	vadd.f32 v24, v26;
	v17 =	vadd.f32 v17, v19;
	v19 =	vld [tilespmem:s18+$0xE0]  }
0xb4: {  	v23 =	vadd.f32 v23, v25;
	v16 =	vadd.f32 v16, v18;
	v18 =	vld [tilespmem:s18+$0xF0]  }
0xb5: {  	v22 =	vadd.f32 v22, v24;
	v15 =	vadd.f32 v15, v17;
	v17 =	vld [tilespmem:s18+$0x120]  }
0xb6: {  	v21 =	vadd.f32 v21, v23;
	v14 =	vadd.f32 v14, v16;
	v16 =	vld [tilespmem:s18+$0x130]  }
0xb7: {  	v20 =	vadd.f32 v20, v22;
	v13 =	vadd.f32 v13, v15;
	v15 =	vld [tilespmem:s18+$0x160]  }
0xb8: {  	v19 =	vadd.f32 v19, v21;
	v12 =	vadd.f32 v12, v14;
	v14 =	vld [tilespmem:s18+$0x170]  }
0xb9: {  	v18 =	vadd.f32 v18, v20;
	v11 =	vadd.f32 v11, v13;
	v13 =	vld [tilespmem:s18+$0x1A0]  }
0xba: {  	v17 =	vadd.f32 v17, v19;
	v10 =	vadd.f32 v10, v12;
	v12 =	vld [tilespmem:s18+$0x1B0]  }
0xbb: {  	v16 =	vadd.f32 v16, v18;
	v9 =	vadd.f32 v9, v11;
	v11 =	vld [tilespmem:s18+$0x1E0]  }
0xbc: {  	v15 =	vadd.f32 v15, v17;
	v8 =	vadd.f32 v8, v10;
	v10 =	vld [tilespmem:s18+$0x1F0]  }
0xbd: {  	v14 =	vadd.f32 v14, v16;
	v7 =	vadd.f32 v7, v9;
	v9 =	vld [tilespmem:s18+$0x220]  }
0xbe: {  	v13 =	vadd.f32 v13, v15;
	v6 =	vadd.f32 v6, v8;
	v8 =	vld [tilespmem:s18+$0x230]  }
0xbf: {  	v12 =	vadd.f32 v12, v14;
	v5 =	vadd.f32 v5, v7;
	v7 =	vld [tilespmem:s18+$0x260]  }
0xc0: {  	v11 =	vadd.f32 v11, v13;
	v4 =	vadd.f32 v4, v6;
	v6 =	vld [tilespmem:s18+$0x270]  }
0xc1: {  	v10 =	vadd.f32 v10, v12;
	v3 =	vadd.f32 v3, v5  }
0xc2: {  	v5 =	vadd.f32 v9, v11;
	v2 =	vadd.f32 v2, v4  }
0xc3: {  	v4 =	vadd.f32 v8, v10;
	v1 =	vadd.f32 v1, v3  }
.Ltmp0:
0xc4: {  	v3 =	vadd.f32 v7, v5;
	v2 =	vmul.f32 $5.000000070e-02, v2;
	(pc) =	sbr.rel @p0 .LBB2_3-.Ltmp0, $4  }
0xc5: {  	s20 =	sshra.s32 s20, $0x2;
	v4 =	vadd.f32 v6, v4;
	v1 =	vmul.f32 $5.000000070e-02, v1  }
0xc6: {  	[tilespmem:v0+s20+$0xFFFFFFD0 ss:$0x1] =	vst.idx.msk $0xffff, v2;
	v2 =	vmul.f32 $5.000000070e-02, v3  }
0xc7: {  	[tilespmem:v0+s20+$0xFFFFFFE0 ss:$0x1] =	vst.idx.msk $0xffff, v1;
	v1 =	vmul.f32 $5.000000070e-02, v4  }
0xc8: {  	[tilespmem:v0+s20+$0xFFFFFFF0 ss:$0x1] =	vst.idx.msk $0xffff, v2  }
0xc9: {  	p0 =	seq.s32 s17, $0x7  }
0xca: {  	s18 =	smul.u32 @!p0 $0x1400, s17;
	_ =	sdelay $0x1  }
0xcb: {  	s18 =	sshra.s32 @!p0 s18, $0x2  }
0xcc: {  	[tilespmem:v0+s20+$0x0 ss:$0x1] =	vst.idx.msk $0xffff, v1;
	s19 =	simm.s32 @!p0 $0x280;
	s20 =	simm.s32 @!p0 $0x2800;
	s18 =	sadd.s32 @!p0 $0x500, s18  }
0xcd: {  	[tilespmem:s20], [sflag:$0x1] =	stream.indirect.gather @!p0 [hbm4b:s3+s19], $0x40, s18, s19, $0xb8;
	[tilespmem:$0x1E800] =	vst v63  }
0xce: {  	_ =	swait.ge [sflag:s12], $0xA000  }
0xcf: {  	[sflag:s12] =	ssyncset.done $0x0  }
0xd0: {  	s18 =	simm.s32 $0xCA80;
	[sflag:s12] =	ssyncadd.s32 $0xFFFF6000  }
0xd1: {  	v1 =	vld [tilespmem:s18+$0x250]  }
0xd2: {  	v2 =	vld [tilespmem:s18+$0x240]  }
0xd3: {  	v3 =	vld [tilespmem:s18+$0x210]  }
0xd4: {  	v0 =	vld [tilespmem:s18+$0x200]  }
0xd5: {  	v4 =	vld [tilespmem:s18+$0x1D0]  }
0xd6: {  	v5 =	vld [tilespmem:s18+$0x1C0]  }
0xd7: {  	v6 =	vld [tilespmem:s18+$0x190]  }
0xd8: {  	v7 =	vld [tilespmem:s18+$0x180]  }
0xd9: {  	v8 =	vld [tilespmem:s18+$0x150]  }
0xda: {  	v9 =	vld [tilespmem:s18+$0x140]  }
0xdb: {  	v10 =	vld [tilespmem:s18+$0x110]  }
0xdc: {  	v11 =	vld [tilespmem:s18+$0x100]  }
0xdd: {  	v12 =	vld [tilespmem:s18+$0xD0]  }
0xde: {  	v13 =	vld [tilespmem:s18+$0xC0]  }
0xdf: {  	v14 =	vld [tilespmem:s18+$0x90]  }
0xe0: {  	v15 =	vld [tilespmem:s18+$0x80]  }
0xe1: {  	v16 =	vld [tilespmem:s18+$0x50]  }
0xe2: {  	v17 =	vld [tilespmem:s18+$0x40]  }
0xe3: {  	v18 =	vld [tilespmem:s18+$0x10]  }
0xe4: {  	v19 =	vld [tilespmem:s18+$0x0]  }
0xe5: {  	v20 =	vld [tilespmem:s18+$0xFFFFFFD0]  }
0xe6: {  	v21 =	vld [tilespmem:s18+$0xFFFFFFC0]  }
0xe7: {  	v22 =	vld [tilespmem:s18+$0xFFFFFF90]  }
0xe8: {  	v23 =	vld [tilespmem:s18+$0xFFFFFF80]  }
0xe9: {  	v24 =	vld [tilespmem:s18+$0xFFFFFF50]  }
0xea: {  	v25 =	vld [tilespmem:s18+$0xFFFFFF40]  }
0xeb: {  	v26 =	vld [tilespmem:s18+$0xFFFFFF10]  }
0xec: {  	v27 =	vld [tilespmem:s18+$0xFFFFFF00]  }
0xed: {  	v28 =	vld [tilespmem:s18+$0xFFFFFED0]  }
0xee: {  	v29 =	vld [tilespmem:s18+$0xFFFFFEC0]  }
0xef: {  	v30 =	vld [tilespmem:s18+$0xFFFFFE90]  }
0xf0: {  	v31 =	vld [tilespmem:s18+$0xFFFFFE80]  }
0xf1: {  	v32 =	vld [tilespmem:s18+$0xFFFFFE50]  }
0xf2: {  	v33 =	vld [tilespmem:s18+$0xFFFFFE40]  }
0xf3: {  	v34 =	vld [tilespmem:s18+$0xFFFFFE10]  }
0xf4: {  	v35 =	vld [tilespmem:s18+$0xFFFFFDF0]  }
0xf5: {  	v36 =	vld [tilespmem:s18+$0xFFFFFE00]  }
0xf6: {  	v37 =	vld [tilespmem:s18+$0xFFFFFDE0]  }
0xf7: {  	v38 =	vld [tilespmem:s18+$0xFFFFFDD0]  }
0xf8: {  	v39 =	vld [tilespmem:s18+$0xFFFFFD80]  }
0xf9: {  	v40 =	vld [tilespmem:s18+$0xFFFFFDC0]  }
0xfa: {  	v41 =	vld [tilespmem:s18+$0xFFFFFD90]  }
0xfb: {  	v42 =	vld [tilespmem:s18+$0xFFFFFDA0]  }
0xfc: {  	v43 =	vld [tilespmem:s18+$0xFFFFFDB0]  }
0xfd: {  	v44 =	vld [tilespmem:s18+$0xFFFFFE20]  }
0xfe: {  	v55 =	vld [tilespmem:s18+$0xFFFFFE30];
	v39 =	vadd.f32 v40, v39  }
0xff: {  	v56 =	vld [tilespmem:s18+$0xFFFFFE60];
	v38 =	vadd.f32 v38, v41  }
0x100: {  	v57 =	vld [tilespmem:s18+$0xFFFFFE70];
	v37 =	vadd.f32 v37, v42;
	v36 =	vadd.f32 v36, v39  }
0x101: {  	v58 =	vld [tilespmem:s18+$0xFFFFFEA0];
	v35 =	vadd.f32 v35, v43;
	v34 =	vadd.f32 v34, v38  }
0x102: {  	v59 =	vld [tilespmem:s18+$0xFFFFFEB0];
	v37 =	vadd.f32 v44, v37;
	v33 =	vadd.f32 v33, v36  }
0x103: {  	v60 =	vld [tilespmem:s18+$0xFFFFFEE0];
	v35 =	vadd.f32 v55, v35;
	v32 =	vadd.f32 v32, v34  }
0x104: {  	v61 =	vld [tilespmem:s18+$0xFFFFFEF0];
	v37 =	vadd.f32 v56, v37;
	v31 =	vadd.f32 v31, v33  }
0x105: {  	v62 =	vld [tilespmem:s18+$0xFFFFFF20];
	v35 =	vadd.f32 v57, v35;
	v30 =	vadd.f32 v30, v32  }
0x106: {  	v63 =	vld [tilespmem:s18+$0xFFFFFF30];
	v37 =	vadd.f32 v58, v37;
	v29 =	vadd.f32 v29, v31  }
0x107: {  	v36 =	vld [tilespmem:s18+$0xFFFFFF60];
	v35 =	vadd.f32 v59, v35;
	v28 =	vadd.f32 v28, v30  }
0x108: {  	v38 =	vld [tilespmem:s18+$0xFFFFFF70];
	v34 =	vadd.f32 v60, v37;
	v27 =	vadd.f32 v27, v29  }
0x109: {  	v39 =	vld [tilespmem:s18+$0xFFFFFFA0];
	v33 =	vadd.f32 v61, v35;
	v26 =	vadd.f32 v26, v28  }
0x10a: {  	v40 =	vld [tilespmem:s18+$0xFFFFFFB0];
	v32 =	vadd.f32 v62, v34;
	v25 =	vadd.f32 v25, v27  }
0x10b: {  	v41 =	vld [tilespmem:s18+$0xFFFFFFE0];
	v31 =	vadd.f32 v63, v33;
	v24 =	vadd.f32 v24, v26  }
0x10c: {  	v42 =	vld [tilespmem:s18+$0xFFFFFFF0];
	v30 =	vadd.f32 v36, v32;
	v23 =	vadd.f32 v23, v25  }
0x10d: {  	v43 =	vld [tilespmem:s18+$0x20];
	v29 =	vadd.f32 v38, v31;
	v22 =	vadd.f32 v22, v24  }
0x10e: {  	v44 =	vld [tilespmem:s18+$0x30];
	v28 =	vadd.f32 v39, v30;
	v21 =	vadd.f32 v21, v23  }
0x10f: {  	v45 =	vld [tilespmem:s18+$0x60];
	v27 =	vadd.f32 v40, v29;
	v20 =	vadd.f32 v20, v22  }
0x110: {  	v46 =	vld [tilespmem:s18+$0x70];
	v26 =	vadd.f32 v41, v28;
	v19 =	vadd.f32 v19, v21  }
0x111: {  	v47 =	vld [tilespmem:s18+$0xA0];
	v25 =	vadd.f32 v42, v27;
	v18 =	vadd.f32 v18, v20  }
0x112: {  	v48 =	vld [tilespmem:s18+$0xB0];
	v24 =	vadd.f32 v43, v26;
	v17 =	vadd.f32 v17, v19  }
0x113: {  	v49 =	vld [tilespmem:s18+$0xE0];
	v23 =	vadd.f32 v44, v25;
	v16 =	vadd.f32 v16, v18  }
0x114: {  	v50 =	vld [tilespmem:s18+$0xF0];
	v22 =	vadd.f32 v45, v24;
	v15 =	vadd.f32 v15, v17  }
0x115: {  	v51 =	vld [tilespmem:s18+$0x120];
	v21 =	vadd.f32 v46, v23;
	v14 =	vadd.f32 v14, v16  }
0x116: {  	v52 =	vld [tilespmem:s18+$0x130];
	v20 =	vadd.f32 v47, v22;
	v13 =	vadd.f32 v13, v15  }
0x117: {  	v53 =	vld [tilespmem:s18+$0x160];
	v19 =	vadd.f32 v48, v21;
	v12 =	vadd.f32 v12, v14  }
0x118: {  	v54 =	vld [tilespmem:s18+$0x170];
	v18 =	vadd.f32 v49, v20;
	v11 =	vadd.f32 v11, v13  }
0x119: {  	v55 =	vld [tilespmem:s18+$0x1A0];
	v17 =	vadd.f32 v50, v19;
	v10 =	vadd.f32 v10, v12  }
0x11a: {  	v56 =	vld [tilespmem:s18+$0x1B0];
	v16 =	vadd.f32 v51, v18;
	v9 =	vadd.f32 v9, v11  }
0x11b: {  	v57 =	vld [tilespmem:s18+$0x1E0];
	v15 =	vadd.f32 v52, v17;
	v8 =	vadd.f32 v8, v10  }
0x11c: {  	v58 =	vld [tilespmem:s18+$0x1F0];
	v14 =	vadd.f32 v53, v16;
	v7 =	vadd.f32 v7, v9  }
0x11d: {  	v59 =	vld [tilespmem:s18+$0x220];
	v13 =	vadd.f32 v54, v15;
	v6 =	vadd.f32 v6, v8  }
0x11e: {  	v60 =	vld [tilespmem:s18+$0x230];
	v12 =	vadd.f32 v55, v14;
	v5 =	vadd.f32 v5, v7  }
0x11f: {  	v61 =	vld [tilespmem:s18+$0x260];
	v11 =	vadd.f32 v56, v13;
	v4 =	vadd.f32 v4, v6  }
0x120: {  	v10 =	vadd.f32 v57, v12;
	v5 =	vadd.f32 v0, v5  }
0x121: {  	v62 =	vld [tilespmem:s18+$0x270];
	v9 =	vadd.f32 v58, v11;
	v0 =	vmov s16;
	v3 =	vadd.f32 v3, v4  }
0x122: {  	v63 =	vadd.f32 v59, v10;
	v2 =	vadd.f32 v2, v5  }
0x123: {  	v1 =	vadd.f32 v1, v3  }
0x124: {  	v3 =	vadd.f32 v60, v9;
	v4 =	vadd.f32 v61, v63;
	v2 =	vmul.f32 $5.000000070e-02, v2  }
0x125: {  	s20 =	simm.s32 $0x0;
	v1 =	vmul.f32 $5.000000070e-02, v1  }
0x126: {  	v3 =	vadd.f32 v62, v3;
	[tilespmem:v0+s20+$0xFFFFFFD0 ss:$0x1] =	vst.idx.msk $0xffff, v2;
	v2 =	vmul.f32 $5.000000070e-02, v4  }
0x127: {  	[tilespmem:v0+s20+$0xFFFFFFE0 ss:$0x1] =	vst.idx.msk $0xffff, v1  }
0x128: {  	s19 =	simm.s32 $0x100;
	v1 =	vmul.f32 $5.000000070e-02, v3;
	[tilespmem:v0+s20+$0xFFFFFFF0 ss:$0x1] =	vst.idx.msk $0xffff, v2  }
.LBB2_5:
0x129: {  	p0 =	sne.s32 s19, $0x1F00  }
0x12a: {  	[tilespmem:v0+s20+$0x0 ss:$0x1] =	vst.idx.msk $0xffff, v1;
	s18 =	sadd.s32 $0x500, s18;
	s20 =	smov.u32 s19;
	s19 =	sadd.s32 $0x100, s19  }
0x12b: {  	v1 =	vld [tilespmem:s18+$0x250]  }
0x12c: {  	v2 =	vld [tilespmem:s18+$0x240]  }
0x12d: {  	v3 =	vld [tilespmem:s18+$0x210]  }
0x12e: {  	v4 =	vld [tilespmem:s18+$0x200]  }
0x12f: {  	v5 =	vld [tilespmem:s18+$0x1D0]  }
0x130: {  	v6 =	vld [tilespmem:s18+$0x1C0]  }
0x131: {  	v7 =	vld [tilespmem:s18+$0x190]  }
0x132: {  	v8 =	vld [tilespmem:s18+$0x180]  }
0x133: {  	v9 =	vld [tilespmem:s18+$0x150]  }
0x134: {  	v10 =	vld [tilespmem:s18+$0x140]  }
0x135: {  	v11 =	vld [tilespmem:s18+$0x110]  }
0x136: {  	v12 =	vld [tilespmem:s18+$0x100]  }
0x137: {  	v13 =	vld [tilespmem:s18+$0xD0]  }
0x138: {  	v14 =	vld [tilespmem:s18+$0xC0]  }
0x139: {  	v15 =	vld [tilespmem:s18+$0x90]  }
0x13a: {  	v16 =	vld [tilespmem:s18+$0x80]  }
0x13b: {  	v17 =	vld [tilespmem:s18+$0x50]  }
0x13c: {  	v18 =	vld [tilespmem:s18+$0x40]  }
0x13d: {  	v19 =	vld [tilespmem:s18+$0x10]  }
0x13e: {  	v20 =	vld [tilespmem:s18+$0x0]  }
0x13f: {  	v21 =	vld [tilespmem:s18+$0xFFFFFFD0]  }
0x140: {  	v22 =	vld [tilespmem:s18+$0xFFFFFFC0]  }
0x141: {  	v23 =	vld [tilespmem:s18+$0xFFFFFF90]  }
0x142: {  	v24 =	vld [tilespmem:s18+$0xFFFFFF80]  }
0x143: {  	v25 =	vld [tilespmem:s18+$0xFFFFFF50]  }
0x144: {  	v26 =	vld [tilespmem:s18+$0xFFFFFF40]  }
0x145: {  	v27 =	vld [tilespmem:s18+$0xFFFFFF10]  }
0x146: {  	v28 =	vld [tilespmem:s18+$0xFFFFFF00]  }
0x147: {  	v29 =	vld [tilespmem:s18+$0xFFFFFED0]  }
0x148: {  	v30 =	vld [tilespmem:s18+$0xFFFFFEC0]  }
0x149: {  	v31 =	vld [tilespmem:s18+$0xFFFFFE90]  }
0x14a: {  	v32 =	vld [tilespmem:s18+$0xFFFFFE80]  }
0x14b: {  	v33 =	vld [tilespmem:s18+$0xFFFFFE50]  }
0x14c: {  	v34 =	vld [tilespmem:s18+$0xFFFFFE40]  }
0x14d: {  	v35 =	vld [tilespmem:s18+$0xFFFFFE10]  }
0x14e: {  	v36 =	vld [tilespmem:s18+$0xFFFFFDF0]  }
0x14f: {  	v37 =	vld [tilespmem:s18+$0xFFFFFE00]  }
0x150: {  	v38 =	vld [tilespmem:s18+$0xFFFFFDE0]  }
0x151: {  	v39 =	vld [tilespmem:s18+$0xFFFFFDD0]  }
0x152: {  	v40 =	vld [tilespmem:s18+$0xFFFFFD80]  }
0x153: {  	v41 =	vld [tilespmem:s18+$0xFFFFFDC0]  }
0x154: {  	v42 =	vld [tilespmem:s18+$0xFFFFFD90]  }
0x155: {  	v43 =	vld [tilespmem:s18+$0xFFFFFDA0]  }
0x156: {  	v44 =	vld [tilespmem:s18+$0xFFFFFDB0]  }
0x157: {  	v45 =	vld [tilespmem:s18+$0xFFFFFE20]  }
0x158: {  	v40 =	vadd.f32 v41, v40;
	v41 =	vld [tilespmem:s18+$0xFFFFFE30]  }
0x159: {  	v39 =	vadd.f32 v39, v42;
	v42 =	vld [tilespmem:s18+$0xFFFFFE60]  }
0x15a: {  	v38 =	vadd.f32 v38, v43;
	v37 =	vadd.f32 v37, v40;
	v40 =	vld [tilespmem:s18+$0xFFFFFE70]  }
0x15b: {  	v36 =	vadd.f32 v36, v44;
	v35 =	vadd.f32 v35, v39;
	v39 =	vld [tilespmem:s18+$0xFFFFFEA0]  }
0x15c: {  	v38 =	vadd.f32 v45, v38;
	v34 =	vadd.f32 v34, v37;
	v37 =	vld [tilespmem:s18+$0xFFFFFEB0]  }
0x15d: {  	v36 =	vadd.f32 v41, v36;
	v33 =	vadd.f32 v33, v35;
	v35 =	vld [tilespmem:s18+$0xFFFFFEE0]  }
0x15e: {  	v38 =	vadd.f32 v42, v38;
	v32 =	vadd.f32 v32, v34;
	v34 =	vld [tilespmem:s18+$0xFFFFFEF0]  }
0x15f: {  	v36 =	vadd.f32 v40, v36;
	v31 =	vadd.f32 v31, v33;
	v33 =	vld [tilespmem:s18+$0xFFFFFF20]  }
0x160: {  	v38 =	vadd.f32 v39, v38;
	v30 =	vadd.f32 v30, v32;
	v32 =	vld [tilespmem:s18+$0xFFFFFF30]  }
0x161: {  	v36 =	vadd.f32 v37, v36;
	v29 =	vadd.f32 v29, v31;
	v31 =	vld [tilespmem:s18+$0xFFFFFF60]  }
0x162: {  	v35 =	vadd.f32 v35, v38;
	v28 =	vadd.f32 v28, v30;
	v30 =	vld [tilespmem:s18+$0xFFFFFF70]  }
0x163: {  	v34 =	vadd.f32 v34, v36;
	v27 =	vadd.f32 v27, v29;
	v29 =	vld [tilespmem:s18+$0xFFFFFFA0]  }
0x164: {  	v33 =	vadd.f32 v33, v35;
	v26 =	vadd.f32 v26, v28;
	v28 =	vld [tilespmem:s18+$0xFFFFFFB0]  }
0x165: {  	v32 =	vadd.f32 v32, v34;
	v25 =	vadd.f32 v25, v27;
	v27 =	vld [tilespmem:s18+$0xFFFFFFE0]  }
0x166: {  	v31 =	vadd.f32 v31, v33;
	v24 =	vadd.f32 v24, v26;
	v26 =	vld [tilespmem:s18+$0xFFFFFFF0]  }
0x167: {  	v30 =	vadd.f32 v30, v32;
	v23 =	vadd.f32 v23, v25;
	v25 =	vld [tilespmem:s18+$0x20]  }
0x168: {  	v29 =	vadd.f32 v29, v31;
	v22 =	vadd.f32 v22, v24;
	v24 =	vld [tilespmem:s18+$0x30]  }
0x169: {  	v28 =	vadd.f32 v28, v30;
	v21 =	vadd.f32 v21, v23;
	v23 =	vld [tilespmem:s18+$0x60]  }
0x16a: {  	v27 =	vadd.f32 v27, v29;
	v20 =	vadd.f32 v20, v22;
	v22 =	vld [tilespmem:s18+$0x70]  }
0x16b: {  	v26 =	vadd.f32 v26, v28;
	v19 =	vadd.f32 v19, v21;
	v21 =	vld [tilespmem:s18+$0xA0]  }
0x16c: {  	v25 =	vadd.f32 v25, v27;
	v18 =	vadd.f32 v18, v20;
	v20 =	vld [tilespmem:s18+$0xB0]  }
0x16d: {  	v24 =	vadd.f32 v24, v26;
	v17 =	vadd.f32 v17, v19;
	v19 =	vld [tilespmem:s18+$0xE0]  }
0x16e: {  	v23 =	vadd.f32 v23, v25;
	v16 =	vadd.f32 v16, v18;
	v18 =	vld [tilespmem:s18+$0xF0]  }
0x16f: {  	v22 =	vadd.f32 v22, v24;
	v15 =	vadd.f32 v15, v17;
	v17 =	vld [tilespmem:s18+$0x120]  }
0x170: {  	v21 =	vadd.f32 v21, v23;
	v14 =	vadd.f32 v14, v16;
	v16 =	vld [tilespmem:s18+$0x130]  }
0x171: {  	v20 =	vadd.f32 v20, v22;
	v13 =	vadd.f32 v13, v15;
	v15 =	vld [tilespmem:s18+$0x160]  }
0x172: {  	v19 =	vadd.f32 v19, v21;
	v12 =	vadd.f32 v12, v14;
	v14 =	vld [tilespmem:s18+$0x170]  }
0x173: {  	v18 =	vadd.f32 v18, v20;
	v11 =	vadd.f32 v11, v13;
	v13 =	vld [tilespmem:s18+$0x1A0]  }
0x174: {  	v17 =	vadd.f32 v17, v19;
	v10 =	vadd.f32 v10, v12;
	v12 =	vld [tilespmem:s18+$0x1B0]  }
0x175: {  	v16 =	vadd.f32 v16, v18;
	v9 =	vadd.f32 v9, v11;
	v11 =	vld [tilespmem:s18+$0x1E0]  }
0x176: {  	v15 =	vadd.f32 v15, v17;
	v8 =	vadd.f32 v8, v10;
	v10 =	vld [tilespmem:s18+$0x1F0]  }
0x177: {  	v14 =	vadd.f32 v14, v16;
	v7 =	vadd.f32 v7, v9;
	v9 =	vld [tilespmem:s18+$0x220]  }
0x178: {  	v13 =	vadd.f32 v13, v15;
	v6 =	vadd.f32 v6, v8;
	v8 =	vld [tilespmem:s18+$0x230]  }
0x179: {  	v12 =	vadd.f32 v12, v14;
	v5 =	vadd.f32 v5, v7;
	v7 =	vld [tilespmem:s18+$0x260]  }
0x17a: {  	v11 =	vadd.f32 v11, v13;
	v4 =	vadd.f32 v4, v6;
	v6 =	vld [tilespmem:s18+$0x270]  }
0x17b: {  	v10 =	vadd.f32 v10, v12;
	v3 =	vadd.f32 v3, v5  }
0x17c: {  	v5 =	vadd.f32 v9, v11;
	v2 =	vadd.f32 v2, v4  }
0x17d: {  	v4 =	vadd.f32 v8, v10;
	v1 =	vadd.f32 v1, v3  }
.Ltmp1:
0x17e: {  	v3 =	vadd.f32 v7, v5;
	v2 =	vmul.f32 $5.000000070e-02, v2;
	(pc) =	sbr.rel @p0 .LBB2_5-.Ltmp1, $4  }
0x17f: {  	s20 =	sshra.s32 s20, $0x2;
	v4 =	vadd.f32 v6, v4;
	v1 =	vmul.f32 $5.000000070e-02, v1  }
0x180: {  	[tilespmem:v0+s20+$0xFFFFFFD0 ss:$0x1] =	vst.idx.msk $0xffff, v2;
	v2 =	vmul.f32 $5.000000070e-02, v3  }
0x181: {  	[tilespmem:v0+s20+$0xFFFFFFE0 ss:$0x1] =	vst.idx.msk $0xffff, v1;
	v1 =	vmul.f32 $5.000000070e-02, v4  }
0x182: {  	[tilespmem:v0+s20+$0xFFFFFFF0 ss:$0x1] =	vst.idx.msk $0xffff, v2  }
0x183: {  	s17 =	sadd.s32 $0x1, s17  }
0x184: {  	p0 =	sne.s32 s17, $0x8  }
.Ltmp2:
0x185: {  	_ = 	snop;
	(pc) =	sbr.rel @p0 .LBB2_2-.Ltmp2, $2  }
0x186: {  	_ =	sdelay $0x2  }
0x187: {  	[tilespmem:v0+s20+$0x0 ss:$0x1] =	vst.idx.msk $0xffff, v1;
	s15 =	sadd.s32 $0x1000, s15;
	s16 =	sadd.s32 $0x1000, s16  }
0x188: {  	s14 =	sadd.s32 $0x1, s14  }
0x189: {  	p0 =	sne.s32 s14, s6  }
.Ltmp3:
0x18a: {  	_ = 	snop;
	(pc) =	sbr.rel @p0 .LBB2_1-.Ltmp3, $4  }
0x18b: {  	[hbm4b:s5+s2] =	stream.linear.scatter [tilespmem:s13], [sflag:$0x3], $0x8000, $0x38;
	[tilespmem:$0x1E800] =	vst v63  }
0x18c: {  	_ =	swait.ge [sflag:s7], $0x8000  }
0x18d: {  	[sflag:s7] =	ssyncset.done $0x0  }
0x18e: {  	[sflag:s7] =	ssyncadd.s32 $0xFFFF8000  }
0x18f: {  	_ =	sfence.sel $0x180000  }
0x190: {  	[bflag:$0x0] =	sbarrier.arrive $0xFFFF  }
0x191: {  	p0 =	sne.s32 s0, $0x0;
	_ =	strace $0x90000047  }
0x192: {  	s0 =	sadd.s32 @!p0 $0x100000, s1;
	[bflag:$0x2] =	sbarrier.arrive $0xFFFF  }
0x193: {  	[sflag:s0] =	ssyncadd.tile.s32 @!p0 $0x1;
	_ =	shalt  }
.Lfunc_end2:
_tile_overlayer_lowered:
.L_overlay_start_2:
0x194: {  	(tag) =	ssettag $0x2  }
0x195: {  	s0 =	rddreg [dreg:$0x0];
	s2 =	stileid.u32  }
0x196: {  	s1 =	rddreg [dreg:$0x1];
	p0 =	sne.s32 s2, $0x0  }
0x197: {  	s3 =	rddreg [dreg:$0x2];
	[bflag:$0x3] =	sbarrier.arrive $0xFFFF;
	s2 =	simm.s32 @!p0 $0x1C03  }
0x198: {  	[timem:s3], [sflag:s2] =	dma.local @!p0 [hbm:s0], s1  }
0x199: {  	s0 =	simm.s32 @!p0 $0x3  }
0x19a: {  	_ =	swait.ge @!p0 [sflag:s0], s1  }
0x19b: {  	s1 =	ssub.s32 @!p0 $0x0, s1;
	[sflag:s0] =	ssyncset.done @!p0 $0x0  }
0x19c: {  	[sflag:s0] =	ssyncadd.s32 @!p0 s1  }
0x19d: {  	[bflag:$0x3] =	sbarrier.arrive $0xFFFF  }
0x19e: {  	_ =	shalt  }

</sc_bundles>
